<compile_context>
chip_gen: v7x
topology: tpu7x:2x2x1
jax: 0.10.2.dev20260603
libtpu: 0.0.44.dev20260713+nightly
codegen_flags: <defaults>
</compile_context>

<pallas_src>
import functools

import jax
import jax.numpy as jnp
from jax import lax
from jax.experimental import pallas as pl
from jax.experimental.pallas import tpu as pltpu
from jax.experimental.pallas import tpu_sc as plsc

_NC = 2
_NS = 16
_NW = _NC * _NS
_LANES = 16
_NBUF = 2
_CH = 200


@functools.lru_cache(maxsize=None)
def _build(n_rows, d, s):
    ch = _CH
    n_per_w = n_rows // _NW
    n_chunks = n_per_w // ch
    n_super = n_chunks // _NBUF
    assert n_per_w % ch == 0 and n_chunks % _NBUF == 0 and n_super >= 2
    assert ch == s
    mesh = plsc.VectorSubcoreMesh(
        core_axis_name="c", subcore_axis_name="s",
        num_cores=_NC, num_subcores=_NS,
    )

    scratch = (
        tuple(pltpu.VMEM((ch,), jnp.int32) for _ in range(_NBUF)),
        tuple(pltpu.VMEM((ch, 128), jnp.float32) for _ in range(_NBUF)),
        tuple(pltpu.VMEM((ch, d), jnp.float32) for _ in range(_NBUF)),
        pltpu.VMEM((s, d), jnp.float32),
        tuple(pltpu.SemaphoreType.DMA for _ in range(_NBUF)),
        tuple(pltpu.SemaphoreType.DMA for _ in range(_NBUF)),
        tuple(pltpu.SemaphoreType.DMA for _ in range(_NBUF)),
    )

    @functools.partial(
        pl.kernel,
        out_type=jax.ShapeDtypeStruct((n_rows, d), jnp.float32),
        mesh=mesh,
        scratch_types=scratch,
    )
    def emb_kernel(tok_hbm, table_hbm, pos_hbm, out_hbm,
                   idx_v, rows_v, out_v, pos_v, gsem, ssem, isem):
        wid = lax.axis_index("s") * _NC + lax.axis_index("c")
        base = wid * n_per_w
        pltpu.sync_copy(pos_hbm, pos_v)

        def start_idx(g, b):
            pltpu.async_copy(tok_hbm.at[pl.ds(base + g * ch, ch)], idx_v[b], isem[b])

        def wait_idx(b):
            pltpu.make_async_copy(tok_hbm.at[pl.ds(0, ch)], idx_v[b], isem[b]).wait()

        def start_gather(b):
            pltpu.async_copy(table_hbm.at[idx_v[b]], rows_v[b], gsem[b])

        def wait_gather(b):
            pltpu.make_async_copy(table_hbm.at[idx_v[b]], rows_v[b], gsem[b]).wait()

        def start_store(g, b):
            pltpu.async_copy(out_v[b], out_hbm.at[pl.ds(base + g * ch, ch)], ssem[b])

        def wait_store(b):
            pltpu.make_async_copy(out_v[b], out_hbm.at[pl.ds(0, ch)], ssem[b]).wait()

        def compute(b):
            rows_b, out_b = rows_v[b], out_v[b]

            def row_body(r, carry):
                for c in range(d // _LANES):
                    sl = pl.ds(c * _LANES, _LANES)
                    out_b[r, sl] = rows_b[r, sl] + pos_v[r, sl]
                return carry

            lax.fori_loop(0, ch, row_body, 0)

        def step(g, b, *, idx_next=True, store_wait=True, gather_next=True):
            wait_gather(b)
            if idx_next:
                start_idx(g + _NBUF, b)
            if store_wait:
                wait_store((b + _NBUF - 1) % _NBUF)
            if gather_next:
                hb = (b + _NBUF - 1) % _NBUF
                wait_idx(hb)
                start_gather(hb)
            compute(b)
            start_store(g, b)

        for b in range(_NBUF):
            start_idx(b, b)
        for b in range(_NBUF - 1):
            wait_idx(b)
            start_gather(b)
        step(0, 0, store_wait=False)
        for b in range(1, _NBUF):
            step(b, b)

        def super_body(go, carry):
            g0 = go * _NBUF
            for b in range(_NBUF):
                step(g0 + b, b)
            return carry

        lax.fori_loop(1, n_super - 1, super_body, 0)

        g0 = (n_super - 1) * _NBUF
        step(g0, 0, idx_next=False)
        for b in range(1, _NBUF):
            step(g0 + b, b, idx_next=False, gather_next=False)
        wait_store(_NBUF - 1)

    return emb_kernel


def kernel(tokens, token_embedding, position_embedding):
    b, s = tokens.shape
    _, d = token_embedding.shape
    flat = tokens.reshape(-1).astype(jnp.int32)
    table128 = jnp.pad(token_embedding, ((0, 0), (0, 128 - d)))
    fn = _build(b * s, d, s)
    out = fn(flat, table128, position_embedding[:s])
    return out.reshape(b, s, d)

# --- scband reference (transcript-rebuilt; emitter-appended) ---
"""Pipeline reference for scband-clipembedding-19164144075633 (READ-ONLY COPY).

The authoritative reference and input builder live on the scoring server;
editing this copy changes nothing except your own understanding.
"""

import jax, jax.numpy as jnp
import numpy as np

N_VOCAB = 100000
N_EMBD = 64
N_TOKEN = 200
BATCH = 4096
SEQ_LEN = 200


def setup_inputs(seed: int = 0) -> dict:
    key = jax.random.key(seed)
    k1, k2, k3 = jax.random.split(key, 3)
    tokens = jax.random.randint(k1, (BATCH, SEQ_LEN), 0, N_VOCAB, dtype=jnp.int64 if jax.config.jax_enable_x64 else jnp.int32)
    token_embedding = jax.random.normal(k2, (N_VOCAB, N_EMBD), dtype=jnp.float32) * 0.02
    # position_embedding initialized to zeros in the torch module; use small random
    # values here so the add is observable, matching a trained-parameter scenario.
    position_embedding = jax.random.normal(k3, (N_TOKEN, N_EMBD), dtype=jnp.float32) * 0.02
    return {"tokens": tokens, "token_embedding": token_embedding, "position_embedding": position_embedding}


def reference(tokens, token_embedding, position_embedding):
    batch_size, seq_len = tokens.shape
    token_embeddings = jnp.take(token_embedding, tokens, axis=0)
    embeddings = token_embeddings + position_embedding[:seq_len]
    return embeddings

if __name__ == "__main__":
    import jax
    _d = setup_inputs()
    print(jax.jit(kernel)(*tuple(_d.values())))

</pallas_src>

<mosaic_0001>
#map = affine_map<(d0, d1) -> (0)>
#map1 = affine_map<(d0, d1) -> (0, 0)>
module attributes {stable_mosaic.version = 14 : i64} {
  func.func @emb_kernel(%arg0: i32, %arg1: i32, %arg2: memref<819200xi32, #tpu.memory_space<hbm>>, %arg3: memref<100000x128xf32, #tpu.memory_space<hbm>>, %arg4: memref<200x64xf32, #tpu.memory_space<hbm>>, %arg5: memref<819200x64xf32, #tpu.memory_space<hbm>>, %arg6: memref<200xi32, #tpu.memory_space<vmem>>, %arg7: memref<200xi32, #tpu.memory_space<vmem>>, %arg8: memref<200x128xf32, #tpu.memory_space<vmem>>, %arg9: memref<200x128xf32, #tpu.memory_space<vmem>>, %arg10: memref<200x64xf32, #tpu.memory_space<vmem>>, %arg11: memref<200x64xf32, #tpu.memory_space<vmem>>, %arg12: memref<200x64xf32, #tpu.memory_space<vmem>>, %arg13: memref<!tpu.dma_semaphore, #tpu.memory_space<semaphore_mem>>, %arg14: memref<!tpu.dma_semaphore, #tpu.memory_space<semaphore_mem>>, %arg15: memref<!tpu.dma_semaphore, #tpu.memory_space<semaphore_mem>>, %arg16: memref<!tpu.dma_semaphore, #tpu.memory_space<semaphore_mem>>, %arg17: memref<!tpu.dma_semaphore, #tpu.memory_space<semaphore_mem>>, %arg18: memref<!tpu.dma_semaphore, #tpu.memory_space<semaphore_mem>>) attributes {dimension_semantics = [#tpu.dimension_semantics<core_parallel>, #tpu.dimension_semantics<subcore_parallel>], iteration_bounds = array<i64: 2, 16>, scalar_prefetch = 0 : i64, scratch_operands = 13 : i64, tpu.core_type = #tpu.core_type<sc_vector_subcore>, window_params = [{transform_indices = #map}, {transform_indices = #map1}, {transform_indices = #map1}, {transform_indices = #map1}]} {
    %mul3A = arith.constant 2 : i32
    %mul3A_0 = arith.muli %arg1, %mul3A : i32
    %add3A = arith.addi %mul3A_0, %arg0 : i32
    %mul3A_1 = arith.constant 25600 : i32
    %mul3A_2 = arith.muli %add3A, %mul3A_1 : i32
    "tpu.region"() ({
      %run_scoped3A = tpu.sem_alloc : memref<!tpu.dma_semaphore, #tpu.memory_space<semaphore_mem>>
      tpu.enqueue_dma source(%arg4 : memref<200x64xf32, #tpu.memory_space<hbm>>) target(%arg12 : memref<200x64xf32, #tpu.memory_space<vmem>>) target_semaphore(%run_scoped3A : memref<!tpu.dma_semaphore, #tpu.memory_space<semaphore_mem>>)
      tpu.wait_dma2 semaphore(%run_scoped3A : memref<!tpu.dma_semaphore, #tpu.memory_space<semaphore_mem>>) src(%arg4 : memref<200x64xf32, #tpu.memory_space<hbm>>) dst(%arg12 : memref<200x64xf32, #tpu.memory_space<vmem>>)
      tpu.yield
    }) : () -> ()
    %add3A_3 = arith.constant 0 : i32
    %add3A_4 = arith.addi %mul3A_2, %add3A_3 : i32
    %dma_start3A = tpu.memref_slice %arg2[%add3A_4] : memref<819200xi32, #tpu.memory_space<hbm>> -> memref<200xi32, #tpu.memory_space<hbm>>
    %dma_start3A_5 = tpu.memref_slice %arg2[%add3A_4] : memref<819200xi32, #tpu.memory_space<hbm>> -> memref<200xi32, #tpu.memory_space<hbm>>
    tpu.enqueue_dma source(%dma_start3A_5 : memref<200xi32, #tpu.memory_space<hbm>>) target(%arg6 : memref<200xi32, #tpu.memory_space<vmem>>) target_semaphore(%arg17 : memref<!tpu.dma_semaphore, #tpu.memory_space<semaphore_mem>>)
    %add3A_6 = arith.constant 200 : i32
    %add3A_7 = arith.addi %mul3A_2, %add3A_6 : i32
    %dma_start3A_8 = tpu.memref_slice %arg2[%add3A_7] : memref<819200xi32, #tpu.memory_space<hbm>> -> memref<200xi32, #tpu.memory_space<hbm>>
    %dma_start3A_9 = tpu.memref_slice %arg2[%add3A_7] : memref<819200xi32, #tpu.memory_space<hbm>> -> memref<200xi32, #tpu.memory_space<hbm>>
    tpu.enqueue_dma source(%dma_start3A_9 : memref<200xi32, #tpu.memory_space<hbm>>) target(%arg7 : memref<200xi32, #tpu.memory_space<vmem>>) target_semaphore(%arg18 : memref<!tpu.dma_semaphore, #tpu.memory_space<semaphore_mem>>)
    %dma_wait3A = arith.constant 0 : i32
    %dma_wait3A_10 = tpu.memref_slice %arg2[%dma_wait3A] : memref<819200xi32, #tpu.memory_space<hbm>> -> memref<200xi32, #tpu.memory_space<hbm>>
    %dma_wait3A_11 = arith.constant 0 : i32
    %dma_wait3A_12 = tpu.memref_slice %arg2[%dma_wait3A_11] : memref<819200xi32, #tpu.memory_space<hbm>> -> memref<200xi32, #tpu.memory_space<hbm>>
    tpu.wait_dma2 semaphore(%arg17 : memref<!tpu.dma_semaphore, #tpu.memory_space<semaphore_mem>>) src(%dma_wait3A_12 : memref<200xi32, #tpu.memory_space<hbm>>) dst(%arg6 : memref<200xi32, #tpu.memory_space<vmem>>)
    %dma_start3A_13 = arith.constant 0 : i32
    %dma_start3A_14 = arith.constant 0 : i32
    %dma_start3A_15 = tpu.memref_slice %arg3[%dma_start3A_13, %dma_start3A_14] : memref<100000x128xf32, #tpu.memory_space<hbm>> -> memref<100000x128xf32, #tpu.memory_space<hbm>>
    tpu.enqueue_indirect_dma source(%dma_start3A_15 : memref<100000x128xf32, #tpu.memory_space<hbm>>) target(%arg8 : memref<200x128xf32, #tpu.memory_space<vmem>>) offsets(%arg6 : memref<200xi32, #tpu.memory_space<vmem>>) semaphore(%arg13 : memref<!tpu.dma_semaphore, #tpu.memory_space<semaphore_mem>>)
    %dma_wait3A_16 = arith.constant 0 : i32
    %dma_wait3A_17 = arith.constant 0 : i32
    %dma_wait3A_18 = tpu.memref_slice %arg3[%dma_wait3A_16, %dma_wait3A_17] : memref<100000x128xf32, #tpu.memory_space<hbm>> -> memref<100000x128xf32, #tpu.memory_space<hbm>>
    tpu.wait_indirect_dma semaphore(%arg13 : memref<!tpu.dma_semaphore, #tpu.memory_space<semaphore_mem>>) src(%dma_wait3A_18 : memref<100000x128xf32, #tpu.memory_space<hbm>>) dst(%arg8 : memref<200x128xf32, #tpu.memory_space<vmem>>)
    %add3A_19 = arith.constant 400 : i32
    %add3A_20 = arith.addi %mul3A_2, %add3A_19 : i32
    %dma_start3A_21 = tpu.memref_slice %arg2[%add3A_20] : memref<819200xi32, #tpu.memory_space<hbm>> -> memref<200xi32, #tpu.memory_space<hbm>>
    %dma_start3A_22 = tpu.memref_slice %arg2[%add3A_20] : memref<819200xi32, #tpu.memory_space<hbm>> -> memref<200xi32, #tpu.memory_space<hbm>>
    tpu.enqueue_dma source(%dma_start3A_22 : memref<200xi32, #tpu.memory_space<hbm>>) target(%arg6 : memref<200xi32, #tpu.memory_space<vmem>>) target_semaphore(%arg17 : memref<!tpu.dma_semaphore, #tpu.memory_space<semaphore_mem>>)
    %dma_wait3A_23 = arith.constant 0 : i32
    %dma_wait3A_24 = tpu.memref_slice %arg2[%dma_wait3A_23] : memref<819200xi32, #tpu.memory_space<hbm>> -> memref<200xi32, #tpu.memory_space<hbm>>
    %dma_wait3A_25 = arith.constant 0 : i32
    %dma_wait3A_26 = tpu.memref_slice %arg2[%dma_wait3A_25] : memref<819200xi32, #tpu.memory_space<hbm>> -> memref<200xi32, #tpu.memory_space<hbm>>
    tpu.wait_dma2 semaphore(%arg18 : memref<!tpu.dma_semaphore, #tpu.memory_space<semaphore_mem>>) src(%dma_wait3A_26 : memref<200xi32, #tpu.memory_space<hbm>>) dst(%arg7 : memref<200xi32, #tpu.memory_space<vmem>>)
    %dma_start3A_27 = arith.constant 0 : i32
    %dma_start3A_28 = arith.constant 0 : i32
    %dma_start3A_29 = tpu.memref_slice %arg3[%dma_start3A_27, %dma_start3A_28] : memref<100000x128xf32, #tpu.memory_space<hbm>> -> memref<100000x128xf32, #tpu.memory_space<hbm>>
    tpu.enqueue_indirect_dma source(%dma_start3A_29 : memref<100000x128xf32, #tpu.memory_space<hbm>>) target(%arg9 : memref<200x128xf32, #tpu.memory_space<vmem>>) offsets(%arg7 : memref<200xi32, #tpu.memory_space<vmem>>) semaphore(%arg14 : memref<!tpu.dma_semaphore, #tpu.memory_space<semaphore_mem>>)
    %scan3A = arith.constant 0 : i32
    %scan3A_30 = arith.constant 0 : i32
    %scan3A_31 = arith.constant 200 : i32
    %scan3A_32 = arith.addi %scan3A_30, %scan3A_31 : i32
    %scan3A_33 = arith.constant 1 : i32
    scf.for %scan3A_134 = %scan3A_30 to %scan3A_32 step %scan3A_33  : i32 {
      %get3A = arith.index_cast %scan3A_134 : i32 to index
      %get3A_135 = arith.constant 0 : index
      %get3A_136 = tpu.vector_load %arg8[%get3A, %get3A_135] {strides = array<i32>} : memref<200x128xf32, #tpu.memory_space<vmem>>, vector<1x16xf32>,
      %get3A_137 = vector.shape_cast %get3A_136 : vector<1x16xf32> to vector<16xf32>
      %get3A_138 = arith.index_cast %scan3A_134 : i32 to index
      %get3A_139 = arith.constant 0 : index
      %get3A_140 = tpu.vector_load %arg12[%get3A_138, %get3A_139] {strides = array<i32>} : memref<200x64xf32, #tpu.memory_space<vmem>>, vector<1x16xf32>,
      %get3A_141 = vector.shape_cast %get3A_140 : vector<1x16xf32> to vector<16xf32>
      %add3A_142 = arith.addf %get3A_137, %get3A_141 : vector<16xf32>
      %swap3A = arith.index_cast %scan3A_134 : i32 to index
      %swap3A_143 = arith.constant 0 : index
      %swap3A_144 = tpu.vector_load %arg10[%swap3A, %swap3A_143] {strides = array<i32>} : memref<200x64xf32, #tpu.memory_space<vmem>>, vector<1x16xf32>,
      %swap3A_145 = vector.shape_cast %swap3A_144 : vector<1x16xf32> to vector<16xf32>
      %swap3A_146 = vector.shape_cast %add3A_142 : vector<16xf32> to vector<1x16xf32>
      tpu.vector_store %arg10[%swap3A, %swap3A_143], %swap3A_146 {strides = array<i32>} : memref<200x64xf32, #tpu.memory_space<vmem>>, vector<1x16xf32>,
      %get3A_147 = arith.index_cast %scan3A_134 : i32 to index
      %get3A_148 = arith.constant 16 : index
      %get3A_149 = tpu.vector_load %arg8[%get3A_147, %get3A_148] {strides = array<i32>} : memref<200x128xf32, #tpu.memory_space<vmem>>, vector<1x16xf32>,
      %get3A_150 = vector.shape_cast %get3A_149 : vector<1x16xf32> to vector<16xf32>
      %get3A_151 = arith.index_cast %scan3A_134 : i32 to index
      %get3A_152 = arith.constant 16 : index
      %get3A_153 = tpu.vector_load %arg12[%get3A_151, %get3A_152] {strides = array<i32>} : memref<200x64xf32, #tpu.memory_space<vmem>>, vector<1x16xf32>,
      %get3A_154 = vector.shape_cast %get3A_153 : vector<1x16xf32> to vector<16xf32>
      %add3A_155 = arith.addf %get3A_150, %get3A_154 : vector<16xf32>
      %swap3A_156 = arith.index_cast %scan3A_134 : i32 to index
      %swap3A_157 = arith.constant 16 : index
      %swap3A_158 = tpu.vector_load %arg10[%swap3A_156, %swap3A_157] {strides = array<i32>} : memref<200x64xf32, #tpu.memory_space<vmem>>, vector<1x16xf32>,
      %swap3A_159 = vector.shape_cast %swap3A_158 : vector<1x16xf32> to vector<16xf32>
      %swap3A_160 = vector.shape_cast %add3A_155 : vector<16xf32> to vector<1x16xf32>
      tpu.vector_store %arg10[%swap3A_156, %swap3A_157], %swap3A_160 {strides = array<i32>} : memref<200x64xf32, #tpu.memory_space<vmem>>, vector<1x16xf32>,
      %get3A_161 = arith.index_cast %scan3A_134 : i32 to index
      %get3A_162 = arith.constant 32 : index
      %get3A_163 = tpu.vector_load %arg8[%get3A_161, %get3A_162] {strides = array<i32>} : memref<200x128xf32, #tpu.memory_space<vmem>>, vector<1x16xf32>,
      %get3A_164 = vector.shape_cast %get3A_163 : vector<1x16xf32> to vector<16xf32>
      %get3A_165 = arith.index_cast %scan3A_134 : i32 to index
      %get3A_166 = arith.constant 32 : index
      %get3A_167 = tpu.vector_load %arg12[%get3A_165, %get3A_166] {strides = array<i32>} : memref<200x64xf32, #tpu.memory_space<vmem>>, vector<1x16xf32>,
      %get3A_168 = vector.shape_cast %get3A_167 : vector<1x16xf32> to vector<16xf32>
      %add3A_169 = arith.addf %get3A_164, %get3A_168 : vector<16xf32>
      %swap3A_170 = arith.index_cast %scan3A_134 : i32 to index
      %swap3A_171 = arith.constant 32 : index
      %swap3A_172 = tpu.vector_load %arg10[%swap3A_170, %swap3A_171] {strides = array<i32>} : memref<200x64xf32, #tpu.memory_space<vmem>>, vector<1x16xf32>,
      %swap3A_173 = vector.shape_cast %swap3A_172 : vector<1x16xf32> to vector<16xf32>
      %swap3A_174 = vector.shape_cast %add3A_169 : vector<16xf32> to vector<1x16xf32>
      tpu.vector_store %arg10[%swap3A_170, %swap3A_171], %swap3A_174 {strides = array<i32>} : memref<200x64xf32, #tpu.memory_space<vmem>>, vector<1x16xf32>,
      %get3A_175 = arith.index_cast %scan3A_134 : i32 to index
      %get3A_176 = arith.constant 48 : index
      %get3A_177 = tpu.vector_load %arg8[%get3A_175, %get3A_176] {strides = array<i32>} : memref<200x128xf32, #tpu.memory_space<vmem>>, vector<1x16xf32>,
      %get3A_178 = vector.shape_cast %get3A_177 : vector<1x16xf32> to vector<16xf32>
      %get3A_179 = arith.index_cast %scan3A_134 : i32 to index
      %get3A_180 = arith.constant 48 : index
      %get3A_181 = tpu.vector_load %arg12[%get3A_179, %get3A_180] {strides = array<i32>} : memref<200x64xf32, #tpu.memory_space<vmem>>, vector<1x16xf32>,
      %get3A_182 = vector.shape_cast %get3A_181 : vector<1x16xf32> to vector<16xf32>
      %add3A_183 = arith.addf %get3A_178, %get3A_182 : vector<16xf32>
      %swap3A_184 = arith.index_cast %scan3A_134 : i32 to index
      %swap3A_185 = arith.constant 48 : index
      %swap3A_186 = tpu.vector_load %arg10[%swap3A_184, %swap3A_185] {strides = array<i32>} : memref<200x64xf32, #tpu.memory_space<vmem>>, vector<1x16xf32>,
      %swap3A_187 = vector.shape_cast %swap3A_186 : vector<1x16xf32> to vector<16xf32>
      %swap3A_188 = vector.shape_cast %add3A_183 : vector<16xf32> to vector<1x16xf32>
      tpu.vector_store %arg10[%swap3A_184, %swap3A_185], %swap3A_188 {strides = array<i32>} : memref<200x64xf32, #tpu.memory_space<vmem>>, vector<1x16xf32>,
    }
    %scan3A_34 = arith.constant 200 : i32
    %add3A_35 = arith.constant 0 : i32
    %add3A_36 = arith.addi %mul3A_2, %add3A_35 : i32
    %dma_start3A_37 = arith.constant 0 : i32
    %dma_start3A_38 = tpu.memref_slice %arg5[%add3A_36, %dma_start3A_37] : memref<819200x64xf32, #tpu.memory_space<hbm>> -> memref<200x64xf32, #tpu.memory_space<hbm>>
    %dma_start3A_39 = arith.constant 0 : i32
    %dma_start3A_40 = tpu.memref_slice %arg5[%add3A_36, %dma_start3A_39] : memref<819200x64xf32, #tpu.memory_space<hbm>> -> memref<200x64xf32, #tpu.memory_space<hbm>>
    tpu.enqueue_dma source(%arg10 : memref<200x64xf32, #tpu.memory_space<vmem>>) target(%dma_start3A_40 : memref<200x64xf32, #tpu.memory_space<hbm>>) target_semaphore(%arg15 : memref<!tpu.dma_semaphore, #tpu.memory_space<semaphore_mem>>)
    %dma_wait3A_41 = arith.constant 0 : i32
    %dma_wait3A_42 = arith.constant 0 : i32
    %dma_wait3A_43 = tpu.memref_slice %arg3[%dma_wait3A_41, %dma_wait3A_42] : memref<100000x128xf32, #tpu.memory_space<hbm>> -> memref<100000x128xf32, #tpu.memory_space<hbm>>
    tpu.wait_indirect_dma semaphore(%arg14 : memref<!tpu.dma_semaphore, #tpu.memory_space<semaphore_mem>>) src(%dma_wait3A_43 : memref<100000x128xf32, #tpu.memory_space<hbm>>) dst(%arg9 : memref<200x128xf32, #tpu.memory_space<vmem>>)
    %add3A_44 = arith.constant 600 : i32
    %add3A_45 = arith.addi %mul3A_2, %add3A_44 : i32
    %dma_start3A_46 = tpu.memref_slice %arg2[%add3A_45] : memref<819200xi32, #tpu.memory_space<hbm>> -> memref<200xi32, #tpu.memory_space<hbm>>
    %dma_start3A_47 = tpu.memref_slice %arg2[%add3A_45] : memref<819200xi32, #tpu.memory_space<hbm>> -> memref<200xi32, #tpu.memory_space<hbm>>
    tpu.enqueue_dma source(%dma_start3A_47 : memref<200xi32, #tpu.memory_space<hbm>>) target(%arg7 : memref<200xi32, #tpu.memory_space<vmem>>) target_semaphore(%arg18 : memref<!tpu.dma_semaphore, #tpu.memory_space<semaphore_mem>>)
    %dma_wait3A_48 = arith.constant 0 : i32
    %dma_wait3A_49 = arith.constant 0 : i32
    %dma_wait3A_50 = tpu.memref_slice %arg5[%dma_wait3A_48, %dma_wait3A_49] : memref<819200x64xf32, #tpu.memory_space<hbm>> -> memref<200x64xf32, #tpu.memory_space<hbm>>
    %dma_wait3A_51 = arith.constant 0 : i32
    %dma_wait3A_52 = arith.constant 0 : i32
    %dma_wait3A_53 = tpu.memref_slice %arg5[%dma_wait3A_51, %dma_wait3A_52] : memref<819200x64xf32, #tpu.memory_space<hbm>> -> memref<200x64xf32, #tpu.memory_space<hbm>>
    tpu.wait_dma2 semaphore(%arg15 : memref<!tpu.dma_semaphore, #tpu.memory_space<semaphore_mem>>) src(%arg10 : memref<200x64xf32, #tpu.memory_space<vmem>>) dst(%dma_wait3A_53 : memref<200x64xf32, #tpu.memory_space<hbm>>)
    %dma_wait3A_54 = arith.constant 0 : i32
    %dma_wait3A_55 = tpu.memref_slice %arg2[%dma_wait3A_54] : memref<819200xi32, #tpu.memory_space<hbm>> -> memref<200xi32, #tpu.memory_space<hbm>>
    %dma_wait3A_56 = arith.constant 0 : i32
    %dma_wait3A_57 = tpu.memref_slice %arg2[%dma_wait3A_56] : memref<819200xi32, #tpu.memory_space<hbm>> -> memref<200xi32, #tpu.memory_space<hbm>>
    tpu.wait_dma2 semaphore(%arg17 : memref<!tpu.dma_semaphore, #tpu.memory_space<semaphore_mem>>) src(%dma_wait3A_57 : memref<200xi32, #tpu.memory_space<hbm>>) dst(%arg6 : memref<200xi32, #tpu.memory_space<vmem>>)
    %dma_start3A_58 = arith.constant 0 : i32
    %dma_start3A_59 = arith.constant 0 : i32
    %dma_start3A_60 = tpu.memref_slice %arg3[%dma_start3A_58, %dma_start3A_59] : memref<100000x128xf32, #tpu.memory_space<hbm>> -> memref<100000x128xf32, #tpu.memory_space<hbm>>
    tpu.enqueue_indirect_dma source(%dma_start3A_60 : memref<100000x128xf32, #tpu.memory_space<hbm>>) target(%arg8 : memref<200x128xf32, #tpu.memory_space<vmem>>) offsets(%arg6 : memref<200xi32, #tpu.memory_space<vmem>>) semaphore(%arg13 : memref<!tpu.dma_semaphore, #tpu.memory_space<semaphore_mem>>)
    %scan3A_61 = arith.constant 0 : i32
    %scan3A_62 = arith.constant 0 : i32
    %scan3A_63 = arith.constant 200 : i32
    %scan3A_64 = arith.addi %scan3A_62, %scan3A_63 : i32
    %scan3A_65 = arith.constant 1 : i32
    scf.for %scan3A_134 = %scan3A_62 to %scan3A_64 step %scan3A_65  : i32 {
      %get3A = arith.index_cast %scan3A_134 : i32 to index
      %get3A_135 = arith.constant 0 : index
      %get3A_136 = tpu.vector_load %arg9[%get3A, %get3A_135] {strides = array<i32>} : memref<200x128xf32, #tpu.memory_space<vmem>>, vector<1x16xf32>,
      %get3A_137 = vector.shape_cast %get3A_136 : vector<1x16xf32> to vector<16xf32>
      %get3A_138 = arith.index_cast %scan3A_134 : i32 to index
      %get3A_139 = arith.constant 0 : index
      %get3A_140 = tpu.vector_load %arg12[%get3A_138, %get3A_139] {strides = array<i32>} : memref<200x64xf32, #tpu.memory_space<vmem>>, vector<1x16xf32>,
      %get3A_141 = vector.shape_cast %get3A_140 : vector<1x16xf32> to vector<16xf32>
      %add3A_142 = arith.addf %get3A_137, %get3A_141 : vector<16xf32>
      %swap3A = arith.index_cast %scan3A_134 : i32 to index
      %swap3A_143 = arith.constant 0 : index
      %swap3A_144 = tpu.vector_load %arg11[%swap3A, %swap3A_143] {strides = array<i32>} : memref<200x64xf32, #tpu.memory_space<vmem>>, vector<1x16xf32>,
      %swap3A_145 = vector.shape_cast %swap3A_144 : vector<1x16xf32> to vector<16xf32>
      %swap3A_146 = vector.shape_cast %add3A_142 : vector<16xf32> to vector<1x16xf32>
      tpu.vector_store %arg11[%swap3A, %swap3A_143], %swap3A_146 {strides = array<i32>} : memref<200x64xf32, #tpu.memory_space<vmem>>, vector<1x16xf32>,
      %get3A_147 = arith.index_cast %scan3A_134 : i32 to index
      %get3A_148 = arith.constant 16 : index
      %get3A_149 = tpu.vector_load %arg9[%get3A_147, %get3A_148] {strides = array<i32>} : memref<200x128xf32, #tpu.memory_space<vmem>>, vector<1x16xf32>,
      %get3A_150 = vector.shape_cast %get3A_149 : vector<1x16xf32> to vector<16xf32>
      %get3A_151 = arith.index_cast %scan3A_134 : i32 to index
      %get3A_152 = arith.constant 16 : index
      %get3A_153 = tpu.vector_load %arg12[%get3A_151, %get3A_152] {strides = array<i32>} : memref<200x64xf32, #tpu.memory_space<vmem>>, vector<1x16xf32>,
      %get3A_154 = vector.shape_cast %get3A_153 : vector<1x16xf32> to vector<16xf32>
      %add3A_155 = arith.addf %get3A_150, %get3A_154 : vector<16xf32>
      %swap3A_156 = arith.index_cast %scan3A_134 : i32 to index
      %swap3A_157 = arith.constant 16 : index
      %swap3A_158 = tpu.vector_load %arg11[%swap3A_156, %swap3A_157] {strides = array<i32>} : memref<200x64xf32, #tpu.memory_space<vmem>>, vector<1x16xf32>,
      %swap3A_159 = vector.shape_cast %swap3A_158 : vector<1x16xf32> to vector<16xf32>
      %swap3A_160 = vector.shape_cast %add3A_155 : vector<16xf32> to vector<1x16xf32>
      tpu.vector_store %arg11[%swap3A_156, %swap3A_157], %swap3A_160 {strides = array<i32>} : memref<200x64xf32, #tpu.memory_space<vmem>>, vector<1x16xf32>,
      %get3A_161 = arith.index_cast %scan3A_134 : i32 to index
      %get3A_162 = arith.constant 32 : index
      %get3A_163 = tpu.vector_load %arg9[%get3A_161, %get3A_162] {strides = array<i32>} : memref<200x128xf32, #tpu.memory_space<vmem>>, vector<1x16xf32>,
      %get3A_164 = vector.shape_cast %get3A_163 : vector<1x16xf32> to vector<16xf32>
      %get3A_165 = arith.index_cast %scan3A_134 : i32 to index
      %get3A_166 = arith.constant 32 : index
      %get3A_167 = tpu.vector_load %arg12[%get3A_165, %get3A_166] {strides = array<i32>} : memref<200x64xf32, #tpu.memory_space<vmem>>, vector<1x16xf32>,
      %get3A_168 = vector.shape_cast %get3A_167 : vector<1x16xf32> to vector<16xf32>
      %add3A_169 = arith.addf %get3A_164, %get3A_168 : vector<16xf32>
      %swap3A_170 = arith.index_cast %scan3A_134 : i32 to index
      %swap3A_171 = arith.constant 32 : index
      %swap3A_172 = tpu.vector_load %arg11[%swap3A_170, %swap3A_171] {strides = array<i32>} : memref<200x64xf32, #tpu.memory_space<vmem>>, vector<1x16xf32>,
      %swap3A_173 = vector.shape_cast %swap3A_172 : vector<1x16xf32> to vector<16xf32>
      %swap3A_174 = vector.shape_cast %add3A_169 : vector<16xf32> to vector<1x16xf32>
      tpu.vector_store %arg11[%swap3A_170, %swap3A_171], %swap3A_174 {strides = array<i32>} : memref<200x64xf32, #tpu.memory_space<vmem>>, vector<1x16xf32>,
      %get3A_175 = arith.index_cast %scan3A_134 : i32 to index
      %get3A_176 = arith.constant 48 : index
      %get3A_177 = tpu.vector_load %arg9[%get3A_175, %get3A_176] {strides = array<i32>} : memref<200x128xf32, #tpu.memory_space<vmem>>, vector<1x16xf32>,
      %get3A_178 = vector.shape_cast %get3A_177 : vector<1x16xf32> to vector<16xf32>
      %get3A_179 = arith.index_cast %scan3A_134 : i32 to index
      %get3A_180 = arith.constant 48 : index
      %get3A_181 = tpu.vector_load %arg12[%get3A_179, %get3A_180] {strides = array<i32>} : memref<200x64xf32, #tpu.memory_space<vmem>>, vector<1x16xf32>,
      %get3A_182 = vector.shape_cast %get3A_181 : vector<1x16xf32> to vector<16xf32>
      %add3A_183 = arith.addf %get3A_178, %get3A_182 : vector<16xf32>
      %swap3A_184 = arith.index_cast %scan3A_134 : i32 to index
      %swap3A_185 = arith.constant 48 : index
      %swap3A_186 = tpu.vector_load %arg11[%swap3A_184, %swap3A_185] {strides = array<i32>} : memref<200x64xf32, #tpu.memory_space<vmem>>, vector<1x16xf32>,
      %swap3A_187 = vector.shape_cast %swap3A_186 : vector<1x16xf32> to vector<16xf32>
      %swap3A_188 = vector.shape_cast %add3A_183 : vector<16xf32> to vector<1x16xf32>
      tpu.vector_store %arg11[%swap3A_184, %swap3A_185], %swap3A_188 {strides = array<i32>} : memref<200x64xf32, #tpu.memory_space<vmem>>, vector<1x16xf32>,
    }
    %scan3A_66 = arith.constant 200 : i32
    %add3A_67 = arith.constant 200 : i32
    %add3A_68 = arith.addi %mul3A_2, %add3A_67 : i32
    %dma_start3A_69 = arith.constant 0 : i32
    %dma_start3A_70 = tpu.memref_slice %arg5[%add3A_68, %dma_start3A_69] : memref<819200x64xf32, #tpu.memory_space<hbm>> -> memref<200x64xf32, #tpu.memory_space<hbm>>
    %dma_start3A_71 = arith.constant 0 : i32
    %dma_start3A_72 = tpu.memref_slice %arg5[%add3A_68, %dma_start3A_71] : memref<819200x64xf32, #tpu.memory_space<hbm>> -> memref<200x64xf32, #tpu.memory_space<hbm>>
    tpu.enqueue_dma source(%arg11 : memref<200x64xf32, #tpu.memory_space<vmem>>) target(%dma_start3A_72 : memref<200x64xf32, #tpu.memory_space<hbm>>) target_semaphore(%arg16 : memref<!tpu.dma_semaphore, #tpu.memory_space<semaphore_mem>>)
    %scan3A_73 = arith.constant 0 : i32
    %scan3A_74 = arith.constant 1 : i32
    %scan3A_75 = arith.constant 62 : i32
    %scan3A_76 = arith.addi %scan3A_74, %scan3A_75 : i32
    %scan3A_77 = arith.constant 1 : i32
    scf.for %scan3A_134 = %scan3A_74 to %scan3A_76 step %scan3A_77  : i32 {
      %mul3A_135 = arith.constant 2 : i32
      %mul3A_136 = arith.muli %scan3A_134, %mul3A_135 : i32
      %add3A_137 = arith.constant 0 : i32
      %add3A_138 = arith.addi %mul3A_136, %add3A_137 : i32
      %dma_wait3A_139 = arith.constant 0 : i32
      %dma_wait3A_140 = arith.constant 0 : i32
      %dma_wait3A_141 = tpu.memref_slice %arg3[%dma_wait3A_139, %dma_wait3A_140] : memref<100000x128xf32, #tpu.memory_space<hbm>> -> memref<100000x128xf32, #tpu.memory_space<hbm>>
      tpu.wait_indirect_dma semaphore(%arg13 : memref<!tpu.dma_semaphore, #tpu.memory_space<semaphore_mem>>) src(%dma_wait3A_141 : memref<100000x128xf32, #tpu.memory_space<hbm>>) dst(%arg8 : memref<200x128xf32, #tpu.memory_space<vmem>>)
      %add3A_142 = arith.constant 2 : i32
      %add3A_143 = arith.addi %add3A_138, %add3A_142 : i32
      %mul3A_144 = arith.constant 200 : i32
      %mul3A_145 = arith.muli %add3A_143, %mul3A_144 : i32
      %add3A_146 = arith.addi %mul3A_2, %mul3A_145 : i32
      %dma_start3A_147 = tpu.memref_slice %arg2[%add3A_146] : memref<819200xi32, #tpu.memory_space<hbm>> -> memref<200xi32, #tpu.memory_space<hbm>>
      %dma_start3A_148 = tpu.memref_slice %arg2[%add3A_146] : memref<819200xi32, #tpu.memory_space<hbm>> -> memref<200xi32, #tpu.memory_space<hbm>>
      tpu.enqueue_dma source(%dma_start3A_148 : memref<200xi32, #tpu.memory_space<hbm>>) target(%arg6 : memref<200xi32, #tpu.memory_space<vmem>>) target_semaphore(%arg17 : memref<!tpu.dma_semaphore, #tpu.memory_space<semaphore_mem>>)
      %dma_wait3A_149 = arith.constant 0 : i32
      %dma_wait3A_150 = arith.constant 0 : i32
      %dma_wait3A_151 = tpu.memref_slice %arg5[%dma_wait3A_149, %dma_wait3A_150] : memref<819200x64xf32, #tpu.memory_space<hbm>> -> memref<200x64xf32, #tpu.memory_space<hbm>>
      %dma_wait3A_152 = arith.constant 0 : i32
      %dma_wait3A_153 = arith.constant 0 : i32
      %dma_wait3A_154 = tpu.memref_slice %arg5[%dma_wait3A_152, %dma_wait3A_153] : memref<819200x64xf32, #tpu.memory_space<hbm>> -> memref<200x64xf32, #tpu.memory_space<hbm>>
      tpu.wait_dma2 semaphore(%arg16 : memref<!tpu.dma_semaphore, #tpu.memory_space<semaphore_mem>>) src(%arg11 : memref<200x64xf32, #tpu.memory_space<vmem>>) dst(%dma_wait3A_154 : memref<200x64xf32, #tpu.memory_space<hbm>>)
      %dma_wait3A_155 = arith.constant 0 : i32
      %dma_wait3A_156 = tpu.memref_slice %arg2[%dma_wait3A_155] : memref<819200xi32, #tpu.memory_space<hbm>> -> memref<200xi32, #tpu.memory_space<hbm>>
      %dma_wait3A_157 = arith.constant 0 : i32
      %dma_wait3A_158 = tpu.memref_slice %arg2[%dma_wait3A_157] : memref<819200xi32, #tpu.memory_space<hbm>> -> memref<200xi32, #tpu.memory_space<hbm>>
      tpu.wait_dma2 semaphore(%arg18 : memref<!tpu.dma_semaphore, #tpu.memory_space<semaphore_mem>>) src(%dma_wait3A_158 : memref<200xi32, #tpu.memory_space<hbm>>) dst(%arg7 : memref<200xi32, #tpu.memory_space<vmem>>)
      %dma_start3A_159 = arith.constant 0 : i32
      %dma_start3A_160 = arith.constant 0 : i32
      %dma_start3A_161 = tpu.memref_slice %arg3[%dma_start3A_159, %dma_start3A_160] : memref<100000x128xf32, #tpu.memory_space<hbm>> -> memref<100000x128xf32, #tpu.memory_space<hbm>>
      tpu.enqueue_indirect_dma source(%dma_start3A_161 : memref<100000x128xf32, #tpu.memory_space<hbm>>) target(%arg9 : memref<200x128xf32, #tpu.memory_space<vmem>>) offsets(%arg7 : memref<200xi32, #tpu.memory_space<vmem>>) semaphore(%arg14 : memref<!tpu.dma_semaphore, #tpu.memory_space<semaphore_mem>>)
      %scan3A_162 = arith.constant 0 : i32
      %scan3A_163 = arith.constant 0 : i32
      %scan3A_164 = arith.constant 200 : i32
      %scan3A_165 = arith.addi %scan3A_163, %scan3A_164 : i32
      %scan3A_166 = arith.constant 1 : i32
      scf.for %scan3A_213 = %scan3A_163 to %scan3A_165 step %scan3A_166  : i32 {
        %get3A = arith.index_cast %scan3A_213 : i32 to index
        %get3A_214 = arith.constant 0 : index
        %get3A_215 = tpu.vector_load %arg8[%get3A, %get3A_214] {strides = array<i32>} : memref<200x128xf32, #tpu.memory_space<vmem>>, vector<1x16xf32>,
        %get3A_216 = vector.shape_cast %get3A_215 : vector<1x16xf32> to vector<16xf32>
        %get3A_217 = arith.index_cast %scan3A_213 : i32 to index
        %get3A_218 = arith.constant 0 : index
        %get3A_219 = tpu.vector_load %arg12[%get3A_217, %get3A_218] {strides = array<i32>} : memref<200x64xf32, #tpu.memory_space<vmem>>, vector<1x16xf32>,
        %get3A_220 = vector.shape_cast %get3A_219 : vector<1x16xf32> to vector<16xf32>
        %add3A_221 = arith.addf %get3A_216, %get3A_220 : vector<16xf32>
        %swap3A = arith.index_cast %scan3A_213 : i32 to index
        %swap3A_222 = arith.constant 0 : index
        %swap3A_223 = tpu.vector_load %arg10[%swap3A, %swap3A_222] {strides = array<i32>} : memref<200x64xf32, #tpu.memory_space<vmem>>, vector<1x16xf32>,
        %swap3A_224 = vector.shape_cast %swap3A_223 : vector<1x16xf32> to vector<16xf32>
        %swap3A_225 = vector.shape_cast %add3A_221 : vector<16xf32> to vector<1x16xf32>
        tpu.vector_store %arg10[%swap3A, %swap3A_222], %swap3A_225 {strides = array<i32>} : memref<200x64xf32, #tpu.memory_space<vmem>>, vector<1x16xf32>,
        %get3A_226 = arith.index_cast %scan3A_213 : i32 to index
        %get3A_227 = arith.constant 16 : index
        %get3A_228 = tpu.vector_load %arg8[%get3A_226, %get3A_227] {strides = array<i32>} : memref<200x128xf32, #tpu.memory_space<vmem>>, vector<1x16xf32>,
        %get3A_229 = vector.shape_cast %get3A_228 : vector<1x16xf32> to vector<16xf32>
        %get3A_230 = arith.index_cast %scan3A_213 : i32 to index
        %get3A_231 = arith.constant 16 : index
        %get3A_232 = tpu.vector_load %arg12[%get3A_230, %get3A_231] {strides = array<i32>} : memref<200x64xf32, #tpu.memory_space<vmem>>, vector<1x16xf32>,
        %get3A_233 = vector.shape_cast %get3A_232 : vector<1x16xf32> to vector<16xf32>
        %add3A_234 = arith.addf %get3A_229, %get3A_233 : vector<16xf32>
        %swap3A_235 = arith.index_cast %scan3A_213 : i32 to index
        %swap3A_236 = arith.constant 16 : index
        %swap3A_237 = tpu.vector_load %arg10[%swap3A_235, %swap3A_236] {strides = array<i32>} : memref<200x64xf32, #tpu.memory_space<vmem>>, vector<1x16xf32>,
        %swap3A_238 = vector.shape_cast %swap3A_237 : vector<1x16xf32> to vector<16xf32>
        %swap3A_239 = vector.shape_cast %add3A_234 : vector<16xf32> to vector<1x16xf32>
        tpu.vector_store %arg10[%swap3A_235, %swap3A_236], %swap3A_239 {strides = array<i32>} : memref<200x64xf32, #tpu.memory_space<vmem>>, vector<1x16xf32>,
        %get3A_240 = arith.index_cast %scan3A_213 : i32 to index
        %get3A_241 = arith.constant 32 : index
        %get3A_242 = tpu.vector_load %arg8[%get3A_240, %get3A_241] {strides = array<i32>} : memref<200x128xf32, #tpu.memory_space<vmem>>, vector<1x16xf32>,
        %get3A_243 = vector.shape_cast %get3A_242 : vector<1x16xf32> to vector<16xf32>
        %get3A_244 = arith.index_cast %scan3A_213 : i32 to index
        %get3A_245 = arith.constant 32 : index
        %get3A_246 = tpu.vector_load %arg12[%get3A_244, %get3A_245] {strides = array<i32>} : memref<200x64xf32, #tpu.memory_space<vmem>>, vector<1x16xf32>,
        %get3A_247 = vector.shape_cast %get3A_246 : vector<1x16xf32> to vector<16xf32>
        %add3A_248 = arith.addf %get3A_243, %get3A_247 : vector<16xf32>
        %swap3A_249 = arith.index_cast %scan3A_213 : i32 to index
        %swap3A_250 = arith.constant 32 : index
        %swap3A_251 = tpu.vector_load %arg10[%swap3A_249, %swap3A_250] {strides = array<i32>} : memref<200x64xf32, #tpu.memory_space<vmem>>, vector<1x16xf32>,
        %swap3A_252 = vector.shape_cast %swap3A_251 : vector<1x16xf32> to vector<16xf32>
        %swap3A_253 = vector.shape_cast %add3A_248 : vector<16xf32> to vector<1x16xf32>
        tpu.vector_store %arg10[%swap3A_249, %swap3A_250], %swap3A_253 {strides = array<i32>} : memref<200x64xf32, #tpu.memory_space<vmem>>, vector<1x16xf32>,
        %get3A_254 = arith.index_cast %scan3A_213 : i32 to index
        %get3A_255 = arith.constant 48 : index
        %get3A_256 = tpu.vector_load %arg8[%get3A_254, %get3A_255] {strides = array<i32>} : memref<200x128xf32, #tpu.memory_space<vmem>>, vector<1x16xf32>,
        %get3A_257 = vector.shape_cast %get3A_256 : vector<1x16xf32> to vector<16xf32>
        %get3A_258 = arith.index_cast %scan3A_213 : i32 to index
        %get3A_259 = arith.constant 48 : index
        %get3A_260 = tpu.vector_load %arg12[%get3A_258, %get3A_259] {strides = array<i32>} : memref<200x64xf32, #tpu.memory_space<vmem>>, vector<1x16xf32>,
        %get3A_261 = vector.shape_cast %get3A_260 : vector<1x16xf32> to vector<16xf32>
        %add3A_262 = arith.addf %get3A_257, %get3A_261 : vector<16xf32>
        %swap3A_263 = arith.index_cast %scan3A_213 : i32 to index
        %swap3A_264 = arith.constant 48 : index
        %swap3A_265 = tpu.vector_load %arg10[%swap3A_263, %swap3A_264] {strides = array<i32>} : memref<200x64xf32, #tpu.memory_space<vmem>>, vector<1x16xf32>,
        %swap3A_266 = vector.shape_cast %swap3A_265 : vector<1x16xf32> to vector<16xf32>
        %swap3A_267 = vector.shape_cast %add3A_262 : vector<16xf32> to vector<1x16xf32>
        tpu.vector_store %arg10[%swap3A_263, %swap3A_264], %swap3A_267 {strides = array<i32>} : memref<200x64xf32, #tpu.memory_space<vmem>>, vector<1x16xf32>,
      }
      %scan3A_167 = arith.constant 200 : i32
      %mul3A_168 = arith.constant 200 : i32
      %mul3A_169 = arith.muli %add3A_138, %mul3A_168 : i32
      %add3A_170 = arith.addi %mul3A_2, %mul3A_169 : i32
      %dma_start3A_171 = arith.constant 0 : i32
      %dma_start3A_172 = tpu.memref_slice %arg5[%add3A_170, %dma_start3A_171] : memref<819200x64xf32, #tpu.memory_space<hbm>> -> memref<200x64xf32, #tpu.memory_space<hbm>>
      %dma_start3A_173 = arith.constant 0 : i32
      %dma_start3A_174 = tpu.memref_slice %arg5[%add3A_170, %dma_start3A_173] : memref<819200x64xf32, #tpu.memory_space<hbm>> -> memref<200x64xf32, #tpu.memory_space<hbm>>
      tpu.enqueue_dma source(%arg10 : memref<200x64xf32, #tpu.memory_space<vmem>>) target(%dma_start3A_174 : memref<200x64xf32, #tpu.memory_space<hbm>>) target_semaphore(%arg15 : memref<!tpu.dma_semaphore, #tpu.memory_space<semaphore_mem>>)
      %add3A_175 = arith.constant 1 : i32
      %add3A_176 = arith.addi %mul3A_136, %add3A_175 : i32
      %dma_wait3A_177 = arith.constant 0 : i32
      %dma_wait3A_178 = arith.constant 0 : i32
      %dma_wait3A_179 = tpu.memref_slice %arg3[%dma_wait3A_177, %dma_wait3A_178] : memref<100000x128xf32, #tpu.memory_space<hbm>> -> memref<100000x128xf32, #tpu.memory_space<hbm>>
      tpu.wait_indirect_dma semaphore(%arg14 : memref<!tpu.dma_semaphore, #tpu.memory_space<semaphore_mem>>) src(%dma_wait3A_179 : memref<100000x128xf32, #tpu.memory_space<hbm>>) dst(%arg9 : memref<200x128xf32, #tpu.memory_space<vmem>>)
      %add3A_180 = arith.constant 2 : i32
      %add3A_181 = arith.addi %add3A_176, %add3A_180 : i32
      %mul3A_182 = arith.constant 200 : i32
      %mul3A_183 = arith.muli %add3A_181, %mul3A_182 : i32
      %add3A_184 = arith.addi %mul3A_2, %mul3A_183 : i32
      %dma_start3A_185 = tpu.memref_slice %arg2[%add3A_184] : memref<819200xi32, #tpu.memory_space<hbm>> -> memref<200xi32, #tpu.memory_space<hbm>>
      %dma_start3A_186 = tpu.memref_slice %arg2[%add3A_184] : memref<819200xi32, #tpu.memory_space<hbm>> -> memref<200xi32, #tpu.memory_space<hbm>>
      tpu.enqueue_dma source(%dma_start3A_186 : memref<200xi32, #tpu.memory_space<hbm>>) target(%arg7 : memref<200xi32, #tpu.memory_space<vmem>>) target_semaphore(%arg18 : memref<!tpu.dma_semaphore, #tpu.memory_space<semaphore_mem>>)
      %dma_wait3A_187 = arith.constant 0 : i32
      %dma_wait3A_188 = arith.constant 0 : i32
      %dma_wait3A_189 = tpu.memref_slice %arg5[%dma_wait3A_187, %dma_wait3A_188] : memref<819200x64xf32, #tpu.memory_space<hbm>> -> memref<200x64xf32, #tpu.memory_space<hbm>>
      %dma_wait3A_190 = arith.constant 0 : i32
      %dma_wait3A_191 = arith.constant 0 : i32
      %dma_wait3A_192 = tpu.memref_slice %arg5[%dma_wait3A_190, %dma_wait3A_191] : memref<819200x64xf32, #tpu.memory_space<hbm>> -> memref<200x64xf32, #tpu.memory_space<hbm>>
      tpu.wait_dma2 semaphore(%arg15 : memref<!tpu.dma_semaphore, #tpu.memory_space<semaphore_mem>>) src(%arg10 : memref<200x64xf32, #tpu.memory_space<vmem>>) dst(%dma_wait3A_192 : memref<200x64xf32, #tpu.memory_space<hbm>>)
      %dma_wait3A_193 = arith.constant 0 : i32
      %dma_wait3A_194 = tpu.memref_slice %arg2[%dma_wait3A_193] : memref<819200xi32, #tpu.memory_space<hbm>> -> memref<200xi32, #tpu.memory_space<hbm>>
      %dma_wait3A_195 = arith.constant 0 : i32
      %dma_wait3A_196 = tpu.memref_slice %arg2[%dma_wait3A_195] : memref<819200xi32, #tpu.memory_space<hbm>> -> memref<200xi32, #tpu.memory_space<hbm>>
      tpu.wait_dma2 semaphore(%arg17 : memref<!tpu.dma_semaphore, #tpu.memory_space<semaphore_mem>>) src(%dma_wait3A_196 : memref<200xi32, #tpu.memory_space<hbm>>) dst(%arg6 : memref<200xi32, #tpu.memory_space<vmem>>)
      %dma_start3A_197 = arith.constant 0 : i32
      %dma_start3A_198 = arith.constant 0 : i32
      %dma_start3A_199 = tpu.memref_slice %arg3[%dma_start3A_197, %dma_start3A_198] : memref<100000x128xf32, #tpu.memory_space<hbm>> -> memref<100000x128xf32, #tpu.memory_space<hbm>>
      tpu.enqueue_indirect_dma source(%dma_start3A_199 : memref<100000x128xf32, #tpu.memory_space<hbm>>) target(%arg8 : memref<200x128xf32, #tpu.memory_space<vmem>>) offsets(%arg6 : memref<200xi32, #tpu.memory_space<vmem>>) semaphore(%arg13 : memref<!tpu.dma_semaphore, #tpu.memory_space<semaphore_mem>>)
      %scan3A_200 = arith.constant 0 : i32
      %scan3A_201 = arith.constant 0 : i32
      %scan3A_202 = arith.constant 200 : i32
      %scan3A_203 = arith.addi %scan3A_201, %scan3A_202 : i32
      %scan3A_204 = arith.constant 1 : i32
      scf.for %scan3A_213 = %scan3A_201 to %scan3A_203 step %scan3A_204  : i32 {
        %get3A = arith.index_cast %scan3A_213 : i32 to index
        %get3A_214 = arith.constant 0 : index
        %get3A_215 = tpu.vector_load %arg9[%get3A, %get3A_214] {strides = array<i32>} : memref<200x128xf32, #tpu.memory_space<vmem>>, vector<1x16xf32>,
        %get3A_216 = vector.shape_cast %get3A_215 : vector<1x16xf32> to vector<16xf32>
        %get3A_217 = arith.index_cast %scan3A_213 : i32 to index
        %get3A_218 = arith.constant 0 : index
        %get3A_219 = tpu.vector_load %arg12[%get3A_217, %get3A_218] {strides = array<i32>} : memref<200x64xf32, #tpu.memory_space<vmem>>, vector<1x16xf32>,
        %get3A_220 = vector.shape_cast %get3A_219 : vector<1x16xf32> to vector<16xf32>
        %add3A_221 = arith.addf %get3A_216, %get3A_220 : vector<16xf32>
        %swap3A = arith.index_cast %scan3A_213 : i32 to index
        %swap3A_222 = arith.constant 0 : index
        %swap3A_223 = tpu.vector_load %arg11[%swap3A, %swap3A_222] {strides = array<i32>} : memref<200x64xf32, #tpu.memory_space<vmem>>, vector<1x16xf32>,
        %swap3A_224 = vector.shape_cast %swap3A_223 : vector<1x16xf32> to vector<16xf32>
        %swap3A_225 = vector.shape_cast %add3A_221 : vector<16xf32> to vector<1x16xf32>
        tpu.vector_store %arg11[%swap3A, %swap3A_222], %swap3A_225 {strides = array<i32>} : memref<200x64xf32, #tpu.memory_space<vmem>>, vector<1x16xf32>,
        %get3A_226 = arith.index_cast %scan3A_213 : i32 to index
        %get3A_227 = arith.constant 16 : index
        %get3A_228 = tpu.vector_load %arg9[%get3A_226, %get3A_227] {strides = array<i32>} : memref<200x128xf32, #tpu.memory_space<vmem>>, vector<1x16xf32>,
        %get3A_229 = vector.shape_cast %get3A_228 : vector<1x16xf32> to vector<16xf32>
        %get3A_230 = arith.index_cast %scan3A_213 : i32 to index
        %get3A_231 = arith.constant 16 : index
        %get3A_232 = tpu.vector_load %arg12[%get3A_230, %get3A_231] {strides = array<i32>} : memref<200x64xf32, #tpu.memory_space<vmem>>, vector<1x16xf32>,
        %get3A_233 = vector.shape_cast %get3A_232 : vector<1x16xf32> to vector<16xf32>
        %add3A_234 = arith.addf %get3A_229, %get3A_233 : vector<16xf32>
        %swap3A_235 = arith.index_cast %scan3A_213 : i32 to index
        %swap3A_236 = arith.constant 16 : index
        %swap3A_237 = tpu.vector_load %arg11[%swap3A_235, %swap3A_236] {strides = array<i32>} : memref<200x64xf32, #tpu.memory_space<vmem>>, vector<1x16xf32>,
        %swap3A_238 = vector.shape_cast %swap3A_237 : vector<1x16xf32> to vector<16xf32>
        %swap3A_239 = vector.shape_cast %add3A_234 : vector<16xf32> to vector<1x16xf32>
        tpu.vector_store %arg11[%swap3A_235, %swap3A_236], %swap3A_239 {strides = array<i32>} : memref<200x64xf32, #tpu.memory_space<vmem>>, vector<1x16xf32>,
        %get3A_240 = arith.index_cast %scan3A_213 : i32 to index
        %get3A_241 = arith.constant 32 : index
        %get3A_242 = tpu.vector_load %arg9[%get3A_240, %get3A_241] {strides = array<i32>} : memref<200x128xf32, #tpu.memory_space<vmem>>, vector<1x16xf32>,
        %get3A_243 = vector.shape_cast %get3A_242 : vector<1x16xf32> to vector<16xf32>
        %get3A_244 = arith.index_cast %scan3A_213 : i32 to index
        %get3A_245 = arith.constant 32 : index
        %get3A_246 = tpu.vector_load %arg12[%get3A_244, %get3A_245] {strides = array<i32>} : memref<200x64xf32, #tpu.memory_space<vmem>>, vector<1x16xf32>,
        %get3A_247 = vector.shape_cast %get3A_246 : vector<1x16xf32> to vector<16xf32>
        %add3A_248 = arith.addf %get3A_243, %get3A_247 : vector<16xf32>
        %swap3A_249 = arith.index_cast %scan3A_213 : i32 to index
        %swap3A_250 = arith.constant 32 : index
        %swap3A_251 = tpu.vector_load %arg11[%swap3A_249, %swap3A_250] {strides = array<i32>} : memref<200x64xf32, #tpu.memory_space<vmem>>, vector<1x16xf32>,
        %swap3A_252 = vector.shape_cast %swap3A_251 : vector<1x16xf32> to vector<16xf32>
        %swap3A_253 = vector.shape_cast %add3A_248 : vector<16xf32> to vector<1x16xf32>
        tpu.vector_store %arg11[%swap3A_249, %swap3A_250], %swap3A_253 {strides = array<i32>} : memref<200x64xf32, #tpu.memory_space<vmem>>, vector<1x16xf32>,
        %get3A_254 = arith.index_cast %scan3A_213 : i32 to index
        %get3A_255 = arith.constant 48 : index
        %get3A_256 = tpu.vector_load %arg9[%get3A_254, %get3A_255] {strides = array<i32>} : memref<200x128xf32, #tpu.memory_space<vmem>>, vector<1x16xf32>,
        %get3A_257 = vector.shape_cast %get3A_256 : vector<1x16xf32> to vector<16xf32>
        %get3A_258 = arith.index_cast %scan3A_213 : i32 to index
        %get3A_259 = arith.constant 48 : index
        %get3A_260 = tpu.vector_load %arg12[%get3A_258, %get3A_259] {strides = array<i32>} : memref<200x64xf32, #tpu.memory_space<vmem>>, vector<1x16xf32>,
        %get3A_261 = vector.shape_cast %get3A_260 : vector<1x16xf32> to vector<16xf32>
        %add3A_262 = arith.addf %get3A_257, %get3A_261 : vector<16xf32>
        %swap3A_263 = arith.index_cast %scan3A_213 : i32 to index
        %swap3A_264 = arith.constant 48 : index
        %swap3A_265 = tpu.vector_load %arg11[%swap3A_263, %swap3A_264] {strides = array<i32>} : memref<200x64xf32, #tpu.memory_space<vmem>>, vector<1x16xf32>,
        %swap3A_266 = vector.shape_cast %swap3A_265 : vector<1x16xf32> to vector<16xf32>
        %swap3A_267 = vector.shape_cast %add3A_262 : vector<16xf32> to vector<1x16xf32>
        tpu.vector_store %arg11[%swap3A_263, %swap3A_264], %swap3A_267 {strides = array<i32>} : memref<200x64xf32, #tpu.memory_space<vmem>>, vector<1x16xf32>,
      }
      %scan3A_205 = arith.constant 200 : i32
      %mul3A_206 = arith.constant 200 : i32
      %mul3A_207 = arith.muli %add3A_176, %mul3A_206 : i32
      %add3A_208 = arith.addi %mul3A_2, %mul3A_207 : i32
      %dma_start3A_209 = arith.constant 0 : i32
      %dma_start3A_210 = tpu.memref_slice %arg5[%add3A_208, %dma_start3A_209] : memref<819200x64xf32, #tpu.memory_space<hbm>> -> memref<200x64xf32, #tpu.memory_space<hbm>>
      %dma_start3A_211 = arith.constant 0 : i32
      %dma_start3A_212 = tpu.memref_slice %arg5[%add3A_208, %dma_start3A_211] : memref<819200x64xf32, #tpu.memory_space<hbm>> -> memref<200x64xf32, #tpu.memory_space<hbm>>
      tpu.enqueue_dma source(%arg11 : memref<200x64xf32, #tpu.memory_space<vmem>>) target(%dma_start3A_212 : memref<200x64xf32, #tpu.memory_space<hbm>>) target_semaphore(%arg16 : memref<!tpu.dma_semaphore, #tpu.memory_space<semaphore_mem>>)
    }
    %scan3A_78 = arith.constant 62 : i32
    %dma_wait3A_79 = arith.constant 0 : i32
    %dma_wait3A_80 = arith.constant 0 : i32
    %dma_wait3A_81 = tpu.memref_slice %arg3[%dma_wait3A_79, %dma_wait3A_80] : memref<100000x128xf32, #tpu.memory_space<hbm>> -> memref<100000x128xf32, #tpu.memory_space<hbm>>
    tpu.wait_indirect_dma semaphore(%arg13 : memref<!tpu.dma_semaphore, #tpu.memory_space<semaphore_mem>>) src(%dma_wait3A_81 : memref<100000x128xf32, #tpu.memory_space<hbm>>) dst(%arg8 : memref<200x128xf32, #tpu.memory_space<vmem>>)
    %dma_wait3A_82 = arith.constant 0 : i32
    %dma_wait3A_83 = arith.constant 0 : i32
    %dma_wait3A_84 = tpu.memref_slice %arg5[%dma_wait3A_82, %dma_wait3A_83] : memref<819200x64xf32, #tpu.memory_space<hbm>> -> memref<200x64xf32, #tpu.memory_space<hbm>>
    %dma_wait3A_85 = arith.constant 0 : i32
    %dma_wait3A_86 = arith.constant 0 : i32
    %dma_wait3A_87 = tpu.memref_slice %arg5[%dma_wait3A_85, %dma_wait3A_86] : memref<819200x64xf32, #tpu.memory_space<hbm>> -> memref<200x64xf32, #tpu.memory_space<hbm>>
    tpu.wait_dma2 semaphore(%arg16 : memref<!tpu.dma_semaphore, #tpu.memory_space<semaphore_mem>>) src(%arg11 : memref<200x64xf32, #tpu.memory_space<vmem>>) dst(%dma_wait3A_87 : memref<200x64xf32, #tpu.memory_space<hbm>>)
    %dma_wait3A_88 = arith.constant 0 : i32
    %dma_wait3A_89 = tpu.memref_slice %arg2[%dma_wait3A_88] : memref<819200xi32, #tpu.memory_space<hbm>> -> memref<200xi32, #tpu.memory_space<hbm>>
    %dma_wait3A_90 = arith.constant 0 : i32
    %dma_wait3A_91 = tpu.memref_slice %arg2[%dma_wait3A_90] : memref<819200xi32, #tpu.memory_space<hbm>> -> memref<200xi32, #tpu.memory_space<hbm>>
    tpu.wait_dma2 semaphore(%arg18 : memref<!tpu.dma_semaphore, #tpu.memory_space<semaphore_mem>>) src(%dma_wait3A_91 : memref<200xi32, #tpu.memory_space<hbm>>) dst(%arg7 : memref<200xi32, #tpu.memory_space<vmem>>)
    %dma_start3A_92 = arith.constant 0 : i32
    %dma_start3A_93 = arith.constant 0 : i32
    %dma_start3A_94 = tpu.memref_slice %arg3[%dma_start3A_92, %dma_start3A_93] : memref<100000x128xf32, #tpu.memory_space<hbm>> -> memref<100000x128xf32, #tpu.memory_space<hbm>>
    tpu.enqueue_indirect_dma source(%dma_start3A_94 : memref<100000x128xf32, #tpu.memory_space<hbm>>) target(%arg9 : memref<200x128xf32, #tpu.memory_space<vmem>>) offsets(%arg7 : memref<200xi32, #tpu.memory_space<vmem>>) semaphore(%arg14 : memref<!tpu.dma_semaphore, #tpu.memory_space<semaphore_mem>>)
    %scan3A_95 = arith.constant 0 : i32
    %scan3A_96 = arith.constant 0 : i32
    %scan3A_97 = arith.constant 200 : i32
    %scan3A_98 = arith.addi %scan3A_96, %scan3A_97 : i32
    %scan3A_99 = arith.constant 1 : i32
    scf.for %scan3A_134 = %scan3A_96 to %scan3A_98 step %scan3A_99  : i32 {
      %get3A = arith.index_cast %scan3A_134 : i32 to index
      %get3A_135 = arith.constant 0 : index
      %get3A_136 = tpu.vector_load %arg8[%get3A, %get3A_135] {strides = array<i32>} : memref<200x128xf32, #tpu.memory_space<vmem>>, vector<1x16xf32>,
      %get3A_137 = vector.shape_cast %get3A_136 : vector<1x16xf32> to vector<16xf32>
      %get3A_138 = arith.index_cast %scan3A_134 : i32 to index
      %get3A_139 = arith.constant 0 : index
      %get3A_140 = tpu.vector_load %arg12[%get3A_138, %get3A_139] {strides = array<i32>} : memref<200x64xf32, #tpu.memory_space<vmem>>, vector<1x16xf32>,
      %get3A_141 = vector.shape_cast %get3A_140 : vector<1x16xf32> to vector<16xf32>
      %add3A_142 = arith.addf %get3A_137, %get3A_141 : vector<16xf32>
      %swap3A = arith.index_cast %scan3A_134 : i32 to index
      %swap3A_143 = arith.constant 0 : index
      %swap3A_144 = tpu.vector_load %arg10[%swap3A, %swap3A_143] {strides = array<i32>} : memref<200x64xf32, #tpu.memory_space<vmem>>, vector<1x16xf32>,
      %swap3A_145 = vector.shape_cast %swap3A_144 : vector<1x16xf32> to vector<16xf32>
      %swap3A_146 = vector.shape_cast %add3A_142 : vector<16xf32> to vector<1x16xf32>
      tpu.vector_store %arg10[%swap3A, %swap3A_143], %swap3A_146 {strides = array<i32>} : memref<200x64xf32, #tpu.memory_space<vmem>>, vector<1x16xf32>,
      %get3A_147 = arith.index_cast %scan3A_134 : i32 to index
      %get3A_148 = arith.constant 16 : index
      %get3A_149 = tpu.vector_load %arg8[%get3A_147, %get3A_148] {strides = array<i32>} : memref<200x128xf32, #tpu.memory_space<vmem>>, vector<1x16xf32>,
      %get3A_150 = vector.shape_cast %get3A_149 : vector<1x16xf32> to vector<16xf32>
      %get3A_151 = arith.index_cast %scan3A_134 : i32 to index
      %get3A_152 = arith.constant 16 : index
      %get3A_153 = tpu.vector_load %arg12[%get3A_151, %get3A_152] {strides = array<i32>} : memref<200x64xf32, #tpu.memory_space<vmem>>, vector<1x16xf32>,
      %get3A_154 = vector.shape_cast %get3A_153 : vector<1x16xf32> to vector<16xf32>
      %add3A_155 = arith.addf %get3A_150, %get3A_154 : vector<16xf32>
      %swap3A_156 = arith.index_cast %scan3A_134 : i32 to index
      %swap3A_157 = arith.constant 16 : index
      %swap3A_158 = tpu.vector_load %arg10[%swap3A_156, %swap3A_157] {strides = array<i32>} : memref<200x64xf32, #tpu.memory_space<vmem>>, vector<1x16xf32>,
      %swap3A_159 = vector.shape_cast %swap3A_158 : vector<1x16xf32> to vector<16xf32>
      %swap3A_160 = vector.shape_cast %add3A_155 : vector<16xf32> to vector<1x16xf32>
      tpu.vector_store %arg10[%swap3A_156, %swap3A_157], %swap3A_160 {strides = array<i32>} : memref<200x64xf32, #tpu.memory_space<vmem>>, vector<1x16xf32>,
      %get3A_161 = arith.index_cast %scan3A_134 : i32 to index
      %get3A_162 = arith.constant 32 : index
      %get3A_163 = tpu.vector_load %arg8[%get3A_161, %get3A_162] {strides = array<i32>} : memref<200x128xf32, #tpu.memory_space<vmem>>, vector<1x16xf32>,
      %get3A_164 = vector.shape_cast %get3A_163 : vector<1x16xf32> to vector<16xf32>
      %get3A_165 = arith.index_cast %scan3A_134 : i32 to index
      %get3A_166 = arith.constant 32 : index
      %get3A_167 = tpu.vector_load %arg12[%get3A_165, %get3A_166] {strides = array<i32>} : memref<200x64xf32, #tpu.memory_space<vmem>>, vector<1x16xf32>,
      %get3A_168 = vector.shape_cast %get3A_167 : vector<1x16xf32> to vector<16xf32>
      %add3A_169 = arith.addf %get3A_164, %get3A_168 : vector<16xf32>
      %swap3A_170 = arith.index_cast %scan3A_134 : i32 to index
      %swap3A_171 = arith.constant 32 : index
      %swap3A_172 = tpu.vector_load %arg10[%swap3A_170, %swap3A_171] {strides = array<i32>} : memref<200x64xf32, #tpu.memory_space<vmem>>, vector<1x16xf32>,
      %swap3A_173 = vector.shape_cast %swap3A_172 : vector<1x16xf32> to vector<16xf32>
      %swap3A_174 = vector.shape_cast %add3A_169 : vector<16xf32> to vector<1x16xf32>
      tpu.vector_store %arg10[%swap3A_170, %swap3A_171], %swap3A_174 {strides = array<i32>} : memref<200x64xf32, #tpu.memory_space<vmem>>, vector<1x16xf32>,
      %get3A_175 = arith.index_cast %scan3A_134 : i32 to index
      %get3A_176 = arith.constant 48 : index
      %get3A_177 = tpu.vector_load %arg8[%get3A_175, %get3A_176] {strides = array<i32>} : memref<200x128xf32, #tpu.memory_space<vmem>>, vector<1x16xf32>,
      %get3A_178 = vector.shape_cast %get3A_177 : vector<1x16xf32> to vector<16xf32>
      %get3A_179 = arith.index_cast %scan3A_134 : i32 to index
      %get3A_180 = arith.constant 48 : index
      %get3A_181 = tpu.vector_load %arg12[%get3A_179, %get3A_180] {strides = array<i32>} : memref<200x64xf32, #tpu.memory_space<vmem>>, vector<1x16xf32>,
      %get3A_182 = vector.shape_cast %get3A_181 : vector<1x16xf32> to vector<16xf32>
      %add3A_183 = arith.addf %get3A_178, %get3A_182 : vector<16xf32>
      %swap3A_184 = arith.index_cast %scan3A_134 : i32 to index
      %swap3A_185 = arith.constant 48 : index
      %swap3A_186 = tpu.vector_load %arg10[%swap3A_184, %swap3A_185] {strides = array<i32>} : memref<200x64xf32, #tpu.memory_space<vmem>>, vector<1x16xf32>,
      %swap3A_187 = vector.shape_cast %swap3A_186 : vector<1x16xf32> to vector<16xf32>
      %swap3A_188 = vector.shape_cast %add3A_183 : vector<16xf32> to vector<1x16xf32>
      tpu.vector_store %arg10[%swap3A_184, %swap3A_185], %swap3A_188 {strides = array<i32>} : memref<200x64xf32, #tpu.memory_space<vmem>>, vector<1x16xf32>,
    }
    %scan3A_100 = arith.constant 200 : i32
    %add3A_101 = arith.constant 25200 : i32
    %add3A_102 = arith.addi %mul3A_2, %add3A_101 : i32
    %dma_start3A_103 = arith.constant 0 : i32
    %dma_start3A_104 = tpu.memref_slice %arg5[%add3A_102, %dma_start3A_103] : memref<819200x64xf32, #tpu.memory_space<hbm>> -> memref<200x64xf32, #tpu.memory_space<hbm>>
    %dma_start3A_105 = arith.constant 0 : i32
    %dma_start3A_106 = tpu.memref_slice %arg5[%add3A_102, %dma_start3A_105] : memref<819200x64xf32, #tpu.memory_space<hbm>> -> memref<200x64xf32, #tpu.memory_space<hbm>>
    tpu.enqueue_dma source(%arg10 : memref<200x64xf32, #tpu.memory_space<vmem>>) target(%dma_start3A_106 : memref<200x64xf32, #tpu.memory_space<hbm>>) target_semaphore(%arg15 : memref<!tpu.dma_semaphore, #tpu.memory_space<semaphore_mem>>)
    %dma_wait3A_107 = arith.constant 0 : i32
    %dma_wait3A_108 = arith.constant 0 : i32
    %dma_wait3A_109 = tpu.memref_slice %arg3[%dma_wait3A_107, %dma_wait3A_108] : memref<100000x128xf32, #tpu.memory_space<hbm>> -> memref<100000x128xf32, #tpu.memory_space<hbm>>
    tpu.wait_indirect_dma semaphore(%arg14 : memref<!tpu.dma_semaphore, #tpu.memory_space<semaphore_mem>>) src(%dma_wait3A_109 : memref<100000x128xf32, #tpu.memory_space<hbm>>) dst(%arg9 : memref<200x128xf32, #tpu.memory_space<vmem>>)
    %dma_wait3A_110 = arith.constant 0 : i32
    %dma_wait3A_111 = arith.constant 0 : i32
    %dma_wait3A_112 = tpu.memref_slice %arg5[%dma_wait3A_110, %dma_wait3A_111] : memref<819200x64xf32, #tpu.memory_space<hbm>> -> memref<200x64xf32, #tpu.memory_space<hbm>>
    %dma_wait3A_113 = arith.constant 0 : i32
    %dma_wait3A_114 = arith.constant 0 : i32
    %dma_wait3A_115 = tpu.memref_slice %arg5[%dma_wait3A_113, %dma_wait3A_114] : memref<819200x64xf32, #tpu.memory_space<hbm>> -> memref<200x64xf32, #tpu.memory_space<hbm>>
    tpu.wait_dma2 semaphore(%arg15 : memref<!tpu.dma_semaphore, #tpu.memory_space<semaphore_mem>>) src(%arg10 : memref<200x64xf32, #tpu.memory_space<vmem>>) dst(%dma_wait3A_115 : memref<200x64xf32, #tpu.memory_space<hbm>>)
    %scan3A_116 = arith.constant 0 : i32
    %scan3A_117 = arith.constant 0 : i32
    %scan3A_118 = arith.constant 200 : i32
    %scan3A_119 = arith.addi %scan3A_117, %scan3A_118 : i32
    %scan3A_120 = arith.constant 1 : i32
    scf.for %scan3A_134 = %scan3A_117 to %scan3A_119 step %scan3A_120  : i32 {
      %get3A = arith.index_cast %scan3A_134 : i32 to index
      %get3A_135 = arith.constant 0 : index
      %get3A_136 = tpu.vector_load %arg9[%get3A, %get3A_135] {strides = array<i32>} : memref<200x128xf32, #tpu.memory_space<vmem>>, vector<1x16xf32>,
      %get3A_137 = vector.shape_cast %get3A_136 : vector<1x16xf32> to vector<16xf32>
      %get3A_138 = arith.index_cast %scan3A_134 : i32 to index
      %get3A_139 = arith.constant 0 : index
      %get3A_140 = tpu.vector_load %arg12[%get3A_138, %get3A_139] {strides = array<i32>} : memref<200x64xf32, #tpu.memory_space<vmem>>, vector<1x16xf32>,
      %get3A_141 = vector.shape_cast %get3A_140 : vector<1x16xf32> to vector<16xf32>
      %add3A_142 = arith.addf %get3A_137, %get3A_141 : vector<16xf32>
      %swap3A = arith.index_cast %scan3A_134 : i32 to index
      %swap3A_143 = arith.constant 0 : index
      %swap3A_144 = tpu.vector_load %arg11[%swap3A, %swap3A_143] {strides = array<i32>} : memref<200x64xf32, #tpu.memory_space<vmem>>, vector<1x16xf32>,
      %swap3A_145 = vector.shape_cast %swap3A_144 : vector<1x16xf32> to vector<16xf32>
      %swap3A_146 = vector.shape_cast %add3A_142 : vector<16xf32> to vector<1x16xf32>
      tpu.vector_store %arg11[%swap3A, %swap3A_143], %swap3A_146 {strides = array<i32>} : memref<200x64xf32, #tpu.memory_space<vmem>>, vector<1x16xf32>,
      %get3A_147 = arith.index_cast %scan3A_134 : i32 to index
      %get3A_148 = arith.constant 16 : index
      %get3A_149 = tpu.vector_load %arg9[%get3A_147, %get3A_148] {strides = array<i32>} : memref<200x128xf32, #tpu.memory_space<vmem>>, vector<1x16xf32>,
      %get3A_150 = vector.shape_cast %get3A_149 : vector<1x16xf32> to vector<16xf32>
      %get3A_151 = arith.index_cast %scan3A_134 : i32 to index
      %get3A_152 = arith.constant 16 : index
      %get3A_153 = tpu.vector_load %arg12[%get3A_151, %get3A_152] {strides = array<i32>} : memref<200x64xf32, #tpu.memory_space<vmem>>, vector<1x16xf32>,
      %get3A_154 = vector.shape_cast %get3A_153 : vector<1x16xf32> to vector<16xf32>
      %add3A_155 = arith.addf %get3A_150, %get3A_154 : vector<16xf32>
      %swap3A_156 = arith.index_cast %scan3A_134 : i32 to index
      %swap3A_157 = arith.constant 16 : index
      %swap3A_158 = tpu.vector_load %arg11[%swap3A_156, %swap3A_157] {strides = array<i32>} : memref<200x64xf32, #tpu.memory_space<vmem>>, vector<1x16xf32>,
      %swap3A_159 = vector.shape_cast %swap3A_158 : vector<1x16xf32> to vector<16xf32>
      %swap3A_160 = vector.shape_cast %add3A_155 : vector<16xf32> to vector<1x16xf32>
      tpu.vector_store %arg11[%swap3A_156, %swap3A_157], %swap3A_160 {strides = array<i32>} : memref<200x64xf32, #tpu.memory_space<vmem>>, vector<1x16xf32>,
      %get3A_161 = arith.index_cast %scan3A_134 : i32 to index
      %get3A_162 = arith.constant 32 : index
      %get3A_163 = tpu.vector_load %arg9[%get3A_161, %get3A_162] {strides = array<i32>} : memref<200x128xf32, #tpu.memory_space<vmem>>, vector<1x16xf32>,
      %get3A_164 = vector.shape_cast %get3A_163 : vector<1x16xf32> to vector<16xf32>
      %get3A_165 = arith.index_cast %scan3A_134 : i32 to index
      %get3A_166 = arith.constant 32 : index
      %get3A_167 = tpu.vector_load %arg12[%get3A_165, %get3A_166] {strides = array<i32>} : memref<200x64xf32, #tpu.memory_space<vmem>>, vector<1x16xf32>,
      %get3A_168 = vector.shape_cast %get3A_167 : vector<1x16xf32> to vector<16xf32>
      %add3A_169 = arith.addf %get3A_164, %get3A_168 : vector<16xf32>
      %swap3A_170 = arith.index_cast %scan3A_134 : i32 to index
      %swap3A_171 = arith.constant 32 : index
      %swap3A_172 = tpu.vector_load %arg11[%swap3A_170, %swap3A_171] {strides = array<i32>} : memref<200x64xf32, #tpu.memory_space<vmem>>, vector<1x16xf32>,
      %swap3A_173 = vector.shape_cast %swap3A_172 : vector<1x16xf32> to vector<16xf32>
      %swap3A_174 = vector.shape_cast %add3A_169 : vector<16xf32> to vector<1x16xf32>
      tpu.vector_store %arg11[%swap3A_170, %swap3A_171], %swap3A_174 {strides = array<i32>} : memref<200x64xf32, #tpu.memory_space<vmem>>, vector<1x16xf32>,
      %get3A_175 = arith.index_cast %scan3A_134 : i32 to index
      %get3A_176 = arith.constant 48 : index
      %get3A_177 = tpu.vector_load %arg9[%get3A_175, %get3A_176] {strides = array<i32>} : memref<200x128xf32, #tpu.memory_space<vmem>>, vector<1x16xf32>,
      %get3A_178 = vector.shape_cast %get3A_177 : vector<1x16xf32> to vector<16xf32>
      %get3A_179 = arith.index_cast %scan3A_134 : i32 to index
      %get3A_180 = arith.constant 48 : index
      %get3A_181 = tpu.vector_load %arg12[%get3A_179, %get3A_180] {strides = array<i32>} : memref<200x64xf32, #tpu.memory_space<vmem>>, vector<1x16xf32>,
      %get3A_182 = vector.shape_cast %get3A_181 : vector<1x16xf32> to vector<16xf32>
      %add3A_183 = arith.addf %get3A_178, %get3A_182 : vector<16xf32>
      %swap3A_184 = arith.index_cast %scan3A_134 : i32 to index
      %swap3A_185 = arith.constant 48 : index
      %swap3A_186 = tpu.vector_load %arg11[%swap3A_184, %swap3A_185] {strides = array<i32>} : memref<200x64xf32, #tpu.memory_space<vmem>>, vector<1x16xf32>,
      %swap3A_187 = vector.shape_cast %swap3A_186 : vector<1x16xf32> to vector<16xf32>
      %swap3A_188 = vector.shape_cast %add3A_183 : vector<16xf32> to vector<1x16xf32>
      tpu.vector_store %arg11[%swap3A_184, %swap3A_185], %swap3A_188 {strides = array<i32>} : memref<200x64xf32, #tpu.memory_space<vmem>>, vector<1x16xf32>,
    }
    %scan3A_121 = arith.constant 200 : i32
    %add3A_122 = arith.constant 25400 : i32
    %add3A_123 = arith.addi %mul3A_2, %add3A_122 : i32
    %dma_start3A_124 = arith.constant 0 : i32
    %dma_start3A_125 = tpu.memref_slice %arg5[%add3A_123, %dma_start3A_124] : memref<819200x64xf32, #tpu.memory_space<hbm>> -> memref<200x64xf32, #tpu.memory_space<hbm>>
    %dma_start3A_126 = arith.constant 0 : i32
    %dma_start3A_127 = tpu.memref_slice %arg5[%add3A_123, %dma_start3A_126] : memref<819200x64xf32, #tpu.memory_space<hbm>> -> memref<200x64xf32, #tpu.memory_space<hbm>>
    tpu.enqueue_dma source(%arg11 : memref<200x64xf32, #tpu.memory_space<vmem>>) target(%dma_start3A_127 : memref<200x64xf32, #tpu.memory_space<hbm>>) target_semaphore(%arg16 : memref<!tpu.dma_semaphore, #tpu.memory_space<semaphore_mem>>)
    %dma_wait3A_128 = arith.constant 0 : i32
    %dma_wait3A_129 = arith.constant 0 : i32
    %dma_wait3A_130 = tpu.memref_slice %arg5[%dma_wait3A_128, %dma_wait3A_129] : memref<819200x64xf32, #tpu.memory_space<hbm>> -> memref<200x64xf32, #tpu.memory_space<hbm>>
    %dma_wait3A_131 = arith.constant 0 : i32
    %dma_wait3A_132 = arith.constant 0 : i32
    %dma_wait3A_133 = tpu.memref_slice %arg5[%dma_wait3A_131, %dma_wait3A_132] : memref<819200x64xf32, #tpu.memory_space<hbm>> -> memref<200x64xf32, #tpu.memory_space<hbm>>
    tpu.wait_dma2 semaphore(%arg16 : memref<!tpu.dma_semaphore, #tpu.memory_space<semaphore_mem>>) src(%arg11 : memref<200x64xf32, #tpu.memory_space<vmem>>) dst(%dma_wait3A_133 : memref<200x64xf32, #tpu.memory_space<hbm>>)
    return
  }
}

</mosaic_0001>

<sc_bundles>
// kernel: kernel.3.cloned.1.call-start
scs
__scs_entry_jumppad:
0x0: {  	(pc) =	sbr.rel $0x88, $3  }
0x1: {  	(tag) =	ssettag $0x0;
	lr =	simm.s32 $0x1  }
0x2: {  	[smem:$0x3F9E] =	sst lr;
	_ =	strace $0xD0000000  }
0x3: {  	_ = 	snop  }
0x4: {  	_ = 	snop  }
0x5: {  	_ = 	snop  }
0x6: {  	_ = 	snop  }
0x7: {  	_ = 	snop  }
__scs_overlays_trampoline_lowered:
0x8: {  	[smem:$0x3FAD] =	sst s0  }
0x9: {  	[smem:$0x3FAE] =	sst s1  }
0xa: {  	[smem:$0x3FAF] =	sst s2  }
0xb: {  	[smem:$0x3FB0] =	sst s3  }
0xc: {  	[smem:$0x3FB1] =	sst s4  }
0xd: {  	[smem:$0x3FB2] =	sst s5  }
0xe: {  	[smem:$0x3FB3] =	sst s6  }
0xf: {  	[smem:$0x3FB4] =	sst s7  }
0x10: {  	[smem:$0x3FB5] =	sst s8  }
0x11: {  	[smem:$0x3FB6] =	sst s9;
	s0 =	simm.s32 @!p0 $0x0  }
0x12: {  	s1 =	sld [smem:$0x3F9C];
	s0 =	simm.s32 @p0 $0x1  }
0x13: {  	[smem:$0x3FB7] =	sst s0;
	s0 =	simm.s32 @!p1 $0x0  }
0x14: {  	s2 =	sld [smem:$0x3F9B];
	s0 =	simm.s32 @p1 $0x1  }
0x15: {  	[smem:$0x3FB8] =	sst s0;
	s0 =	simm.s32 @!p2 $0x0  }
0x16: {  	s3 =	sld [smem:$0x3FDB];
	s0 =	simm.s32 @p2 $0x1  }
0x17: {  	s4 =	simm.s32 $0x1BF5;
	[smem:$0x3FBA] =	sst s0  }
0x18: {  	s0 =	sld [smem:$0x3F9D];
	_ =	swait.ge [sflag:s4], $0x0  }
0x19: {  	s7 =	sld [smem:$0x3F9E]  }
0x1a: {  	s8 =	sadd.s32 $0xFFFFE003, lr  }
0x1b: {  	s9 =	sadd.s32 $0xFFFFFEF7, lr;
	s5 =	simm.s32 $0xFFFFFFFF;
	p2 =	slt.u32 s8, $0xFFFFF086  }
0x1c: {  	p1 =	slt.u32 s9, $0xF7A;
	s5 =	simm.s32 @!p2 $0x0  }
0x1d: {  	s5 =	simm.s32 @p1 $0x1;
	p0 =	seq.s32 s7, s2  }
0x1e: {  	s7 =	smul.u32 @!p0 $0xF7A, s2;
	p2 =	seq.s32 @!p0 s5, $0x0  }
0x1f: {  	s9 =	smul.u32 $0xF7A, s1;
	s8 =	simm.s32 @!p0 $0x1BF5;
	p2 =	por !p2, p0  }
0x20: {  	[sflag:s8] =	ssyncset.s32 @!p0 $0xFFFFF086;
	s6 =	sadd.s32 @!p0 s3, s7;
	s7 =	simm.s32 @!p0 $0x108  }
0x21: {  	s3 =	sadd.s32 s3, s9;
	s6 =	sadd.s32 @!p0 $0x88, s6;
	s7 =	simm.s32 @p2 $0x1082  }
0x22: {  	[simem:s7], [sflag:s8] =	dma.local @!p0 [hbm:s6], $0xF7A  }
0x23: {  	s9 =	sor.u32 $0xD0000000, s2;
	s6 =	simm.s32 $0x108;
	_ =	swait.ge @!p0 [sflag:s8], $0x0  }
0x24: {  	s3 =	sadd.s32 $0x88, s3;
	s6 =	simm.s32 @!p1 $0x1082;
	[sflag:s4] =	ssyncset.s32 $0xFFFFF086  }
0x25: {  	[simem:s6], [sflag:s4] =	dma.local [hbm:s3], $0xF7A  }
0x26: {  	[smem:$0x3F9E] =	sst s1;
	(tag) =	ssettag s2;
	_ =	strace s9  }
0x27: {  	s1 =	sld [smem:$0x3FAE]  }
0x28: {  	s2 =	sld [smem:$0x3FAF]  }
0x29: {  	s4 =	sld [smem:$0x3FB1]  }
0x2a: {  	p0 =	seq.s32 s5, $0x0;
	s5 =	sld [smem:$0x3FB2]  }
0x2b: {  	s6 =	sld [smem:$0x3FB3]  }
0x2c: {  	s7 =	sld [smem:$0x3FB4]  }
0x2d: {  	s3 =	simm.s32 $0x108;
	s8 =	sld [smem:$0x3FB5]  }
0x2e: {  	s3 =	simm.s32 @!p0 $0x1082;
	s9 =	sld [smem:$0x3FB6]  }
0x2f: {  	lr =	sadd.s32 s0, s3;
	s0 =	sld [smem:$0x3FAD]  }
0x30: {  	s3 =	sld [smem:$0x3FB0]  }
0x31: {  	[smem:$0x3FB9] =	sst s10  }
0x32: {  	s10 =	sld [smem:$0x3FB7];
	_ =	sdelay $0x3  }
0x33: {  	p0 =	seq.s32 s10, $0x1;
	s10 =	sld [smem:$0x3FB9];
	_ =	sdelay $0x3  }
0x34: {  	[smem:$0x3FB9] =	sst s10  }
0x35: {  	s10 =	sld [smem:$0x3FB8];
	_ =	sdelay $0x3  }
0x36: {  	p1 =	seq.s32 s10, $0x1;
	s10 =	sld [smem:$0x3FB9];
	_ =	sdelay $0x3  }
0x37: {  	[smem:$0x3FB9] =	sst s10  }
0x38: {  	s10 =	sld [smem:$0x3FBA]  }
0x39: {  	_ = 	snop;
	(pc) =	sbr.ind lr, $3  }
0x3a: {  	_ = 	snop  }
0x3b: {  	_ = 	snop  }
0x3c: {  	p2 =	seq.s32 s10, $0x1;
	s10 =	sld [smem:$0x3FB9]  }
0x3d: {  	_ =	shalt  }
0x3e: {  	_ =	shalt  }
0x3f: {  	_ =	shalt  }
0x40: {  	_ =	shalt  }
0x41: {  	_ =	shalt  }
0x42: {  	_ =	shalt  }
0x43: {  	_ =	shalt  }
0x44: {  	_ =	shalt  }
0x45: {  	_ =	shalt  }
0x46: {  	_ =	shalt  }
0x47: {  	_ =	shalt  }
0x48: {  	_ =	shalt  }
0x49: {  	_ =	shalt  }
0x4a: {  	_ =	shalt  }
0x4b: {  	_ =	shalt  }
0x4c: {  	_ =	shalt  }
0x4d: {  	_ =	shalt  }
0x4e: {  	_ =	shalt  }
0x4f: {  	_ =	shalt  }
0x50: {  	_ =	shalt  }
0x51: {  	_ =	shalt  }
0x52: {  	_ =	shalt  }
0x53: {  	_ =	shalt  }
0x54: {  	_ =	shalt  }
0x55: {  	_ =	shalt  }
0x56: {  	_ =	shalt  }
0x57: {  	_ =	shalt  }
0x58: {  	_ =	shalt  }
0x59: {  	_ =	shalt  }
0x5a: {  	_ =	shalt  }
0x5b: {  	_ =	shalt  }
0x5c: {  	_ =	shalt  }
0x5d: {  	_ =	shalt  }
0x5e: {  	_ =	shalt  }
0x5f: {  	_ =	shalt  }
0x60: {  	_ =	shalt  }
0x61: {  	_ =	shalt  }
0x62: {  	_ =	shalt  }
0x63: {  	_ =	shalt  }
0x64: {  	_ =	shalt  }
0x65: {  	_ =	shalt  }
0x66: {  	_ =	shalt  }
0x67: {  	_ =	shalt  }
0x68: {  	_ =	shalt  }
0x69: {  	_ =	shalt  }
0x6a: {  	_ =	shalt  }
0x6b: {  	_ =	shalt  }
0x6c: {  	_ =	shalt  }
0x6d: {  	_ =	shalt  }
0x6e: {  	_ =	shalt  }
0x6f: {  	_ =	shalt  }
0x70: {  	_ =	shalt  }
0x71: {  	_ =	shalt  }
0x72: {  	_ =	shalt  }
0x73: {  	_ =	shalt  }
0x74: {  	_ =	shalt  }
0x75: {  	_ =	shalt  }
0x76: {  	_ =	shalt  }
0x77: {  	_ =	shalt  }
0x78: {  	_ =	shalt  }
0x79: {  	_ =	shalt  }
0x7a: {  	_ =	shalt  }
0x7b: {  	_ =	shalt  }
0x7c: {  	_ =	shalt  }
0x7d: {  	_ =	shalt  }
0x7e: {  	_ =	shalt  }
0x7f: {  	_ =	shalt  }
0x80: {  	_ =	shalt  }
0x81: {  	_ =	shalt  }
0x82: {  	_ =	shalt  }
0x83: {  	_ =	shalt  }
0x84: {  	_ =	shalt  }
0x85: {  	_ =	shalt  }
0x86: {  	_ =	shalt  }
0x87: {  	_ =	shalt  }
.Lfunc_end0:
.L_simem_size_0:
called_computation.1_lowered:
.L_overlay_start_0:
0x88: {  	s2 =	sld [smem:$0x3FD9]  }
0x89: {  	s3 =	sld [smem:$0x3FFE];
	_ =	sdelay $0x1  }
0x8a: {  	s1 =	srdreg.scid  }
0x8b: {  	s0 =	sand.u32 $0x1, s1  }
0x8c: {  	s16 =	sshll.u32 s0, $0xA;
	s2 =	sadd.s32 s3, s2  }
0x8d: {  	s2 =	sadd.s32 s2, s16  }
0x8e: {  	[smem:$0x3FC5] =	sst s2  }
0x8f: {  	_ = 	snop  }
0x90: {  	(tm) =	ssettm $0x1  }
0x91: {  	s17 =	sld [smem:$0x3FFB];
	_ =	sdelay $0x3  }
0x92: {  	_ =	strace s17  }
0x93: {  	s2 =	sld [smem:$0x3FFC];
	_ =	sdelay $0x3  }
0x94: {  	_ =	strace s2  }
0x95: {  	s2 =	sld [smem:$0x3FFD];
	_ =	sdelay $0x3  }
0x96: {  	_ =	strace s2  }
0x97: {  	_ =	strace $0x8FFFFFFF  }
0x98: {  	s18 =	sld [smem:$0x3FDB];
	_ =	sdelay $0x1  }
0x99: {  	s19 =	simm.s32 $_scs_section_size  }
0x9a: {  	s4 =	simm.s32 $_size__tile_overlayer_lowered;
	s5 =	simm.s32 $_tile_overlayer_lowered  }
0x9b: {  	s22 =	simm.s32 $0x1BFF;
	s21 =	sshll.u32 s5, $0x1;
	s2 =	sadd.s32 s19, s18  }
0x9c: {  	s6 =	simm.s32 $0x0;
	s20 =	sshll.u32 s4, $0x1;
	s4 =	sadd.s32 s21, s2  }
0x9d: {  	[timem:s6], [sflag:s22] =	dma.local [hbm:s4], s20  }
0x9e: {  	_ =	swait.ge [sflag:s22], s20  }
0x9f: {  	s3 =	ssub.s32 $0x0, s20;
	[sflag:s22] =	ssyncset.done $0x0  }
0xa0: {  	[sflag:s22] =	ssyncadd.s32 s3;
	_ =	sdelay $0x1  }
0xa1: {  	s23 =	simm.s32 $0x1B8B  }
0xa2: {  	_ =	swait.ge [sflag:s23], $0x1  }
0xa3: {  	[sflag:s23] =	ssyncset.done $0x0  }
0xa4: {  	s25 =	simm.s32 $0x1B8E;
	s24 =	sld [smem:$0x3FFE];
	[sflag:s23] =	ssyncadd.s32 $0xFFFFFFFF  }
0xa5: {  	s26 =	simm.s32 $execute0_lowered;
	[smem:$0x3FD2] =	sst s25  }
0xa6: {  	s4 =	sshll.u32 s26, $0x1;
	_ =	strace $0x80000046;
	[dreg:$0x1] =	wrdreg $0xFFFFFFFF  }
0xa7: {  	s28 =	simm.s32 $_size_execute0_lowered;
	s2 =	sadd.s32 s2, s4;
	[dreg:$0x0] =	wrdreg $0x0  }
0xa8: {  	s4 =	sshll.u32 s28, $0x1;
	[dreg:$0x2] =	wrdreg s2  }
0xa9: {  	[dreg:$0x3] =	wrdreg s4  }
0xaa: {  	[dreg:$0x4] =	wrdreg $0xC0  }
0xab: {  	_ =	task [dreg:s6], $0x5FFFF  }
0xac: {  	[dreg:$0x1] =	wrdreg $0xFFFFFFFF  }
0xad: {  	[dreg:$0x0] =	wrdreg $0x60  }
0xae: {  	[dreg:$0x2] =	wrdreg s24  }
0xaf: {  	[dreg:$0x3] =	wrdreg $0x9  }
0xb0: {  	_ =	task.clear_ibuf [dreg:s6], $0x4FFFF;
	_ =	strace $0x90000046  }
0xb1: {  	s29 =	simm.s32 $0x9;
	_ =	strace $0x80000048  }
0xb2: {  	_ =	swait.ge [sflag:s29], $0x1  }
0xb3: {  	[sflag:s29] =	ssyncadd.s32 $0xFFFFFFFF  }
0xb4: {  	_ =	strace $0x90000048  }
0xb5: {  	_ =	sfence  }
0xb6: {  	s30 =	sld [smem:$0x0];
	_ =	sdelay $0x2  }
0xb7: {  	s31 =	sshll.u32 s1, $0xD;
	s1 =	sshrl.u32 s1, $0x2  }
0xb8: {  	s3 =	sand.u32 $0x4000, s31;
	s1 =	sadd.s32 s1, s30  }
0xb9: {  	s0 =	sor.u32 s3, s0;
	s1 =	sshll.u32 s1, $0x11  }
0xba: {  	s0 =	sor.u32 s1, s0  }
0xbb: {  	s0 =	sadd.s32 $0x8F2B, s0  }
0xbc: {  	[sflag:s0] =	ssyncadd.remote.s32 $0x1  }
0xbd: {  	_ =	sfence.sel $0xFFFF  }
0xbe: {  	[dreg:$0x0] =	wrdreg $0xFFFFFFFF;
	(pc) =	sbr.abs _section_cstart, $3  }
0xbf: {  	[dreg:$0x1] =	wrdreg $0xFFFFFFFF  }
0xc0: {  	_ =	task.clear_ibuf [dreg:s6], $0x2FFFF;
	_ =	strace $0x9FFFFFFF  }
0xc1: {  	(tm) =	ssettm $0x7FFFFFFF  }
tec
execute0_lowered:
.L_overlay_start_1:
0x0: {  	(tag) =	ssettag $0x1  }
0x1: {  	s0 =	rddreg [dreg:$0x0];
	s2 =	simm.s32 $0x0  }
0x2: {  	s1 =	srdreg.scid;
	s3 =	stileid.u32;
	s28 =	simm.s32 $0x6  }
0x3: {  	s29 =	simm.s32 $0x6600;
	s30 =	simm.s32 $0xCA00;
	s31 =	simm.s32 $0x2  }
0x4: {  	[smem:$0x7FF] =	sst s2;
	s1 =	sand.u32 $0x1, s1;
	s3 =	sshll.u32 s3, $0x1  }
0x5: {  	s5 =	sadd.s32 $0x1A600, s0;
	s7 =	sadd.s32 $0x800, s0;
	s6 =	sor.u32 s1, s3  }
0x6: {  	_ =	strace $0x80000047;
	s3 =	sadd.s32 $0x1600, s0;
	s4 =	smul.u32 $0x6400, s6  }
0x7: {  	s1 =	ssub.s32 $0x2, s1;
	[dreg:$0x2] =	wrdreg s7;
	s11 =	smul.u32 $0x64000, s6  }
0x8: {  	s7 =	sadd.s32 $0x1A1000, s0;
	s8 =	sshrl.u32 s1, $0x1;
	s22 =	smul.u32 $0x320000, s6  }
0x9: {  	s0 =	simm.s32 $0x3;
	s19 =	ssub.s32 s1, s8;
	s8 =	sor.u32 $0xC8, s4  }
0xa: {  	s20 =	sshrl.u32 s4, $0x3;
	s24 =	sadd.s32 s7, s11;
	s1 =	sshrl.u32 s22, $0x3  }
0xb: {  	s15 =	sor.u32 $0x190, s4;
	s16 =	sor.u32 $0x258, s4;
	s19 =	smax.u32 s19, $0x1  }
0xc: {  	s22 =	simm.s32 $0x100;
	s10 =	sshrl.u32 s8, $0x3;
	s9 =	sadd.s32 s3, s20  }
0xd: {  	[dreg:$0x5] =	wrdreg s24;
	s25 =	sshll.u32 s8, $0x4;
	s1 =	sadd.s32 s7, s1  }
0xe: {  	s24 =	simm.s32 $0xC8;
	s20 =	simm.s32 $0x4;
	s21 =	sadd.s32 s3, s10  }
0xf: {  	s23 =	sadd.s32 $0x32, s9;
	s26 =	sadd.s32 $0x4B, s9;
	[dreg:$0x3] =	wrdreg s21  }
0x10: {  	s6 =	sadd.s32 s7, s25;
	s17 =	sadd.s32 $0x62700, s1;
	[dreg:$0x4] =	wrdreg s23  }
0x11: {  	s18 =	sadd.s32 $0x63380, s1;
	s25 =	simm.s32 $0x200;
	[dreg:$0x6] =	wrdreg s26  }
0x12: {  	s1 =	simm.s32 $0x12E00;
	[dreg:$0x7] =	wrdreg s6;
	s21 =	simm.s32 $0x7  }
0x13: {  	s23 =	simm.s32 $0x5;
	s26 =	simm.s32 $0x1;
	s6 =	simm.s32 $0x0  }
.LBB2_1:
0x14: {  	s10 =	rddreg [dreg:$0x2];
	s11 =	simm.s32 $0x19200  }
0x15: {  	[tilespmem:s11], [sflag:$0x7] =	stream.linear.gather [hbm4b:s10+s2], $0x6400, $0x38;
	[tilespmem:$0x1F600] =	vst v63  }
0x16: {  	_ =	swait.ge [sflag:s21], $0x6400  }
0x17: {  	[sflag:s21] =	ssyncset.done $0x0  }
0x18: {  	[sflag:s21] =	ssyncadd.s32 $0xFFFF9C00  }
0x19: {  	[tilespmem:s2], [sflag:$0x5] =	stream.linear.gather [hbm4b:s9+s2], $0xC8, $0x38;
	[tilespmem:$0x1F600] =	vst v63  }
0x1a: {  	s13 =	rddreg [dreg:$0x3]  }
0x1b: {  	[tilespmem:s22], [sflag:$0x6] =	stream.linear.gather [hbm4b:s13+s2], $0xC8, $0x38;
	[tilespmem:$0x1F600] =	vst v63  }
0x1c: {  	_ =	swait.ge [sflag:s23], $0xC8  }
0x1d: {  	[sflag:s23] =	ssyncset.done $0x0  }
0x1e: {  	[sflag:s23] =	ssyncadd.s32 $0xFFFFFF38  }
0x1f: {  	[tilespmem:s25], [sflag:$0x1] =	stream.indirect.gather [hbm4b:s5+s24], $0x80, s2, s24, $0xb8;
	[tilespmem:$0x1F600] =	vst v63  }
0x20: {  	_ =	swait.ge [sflag:s26], $0x6400  }
0x21: {  	[sflag:s26] =	ssyncset.done $0x0  }
0x22: {  	s14 =	rddreg [dreg:$0x4];
	[sflag:s26] =	ssyncadd.s32 $0xFFFF9C00  }
0x23: {  	[tilespmem:s2], [sflag:$0x5] =	stream.linear.gather [hbm4b:s14+s2], $0xC8, $0x38;
	[tilespmem:$0x1F600] =	vst v63  }
0x24: {  	_ =	swait.ge [sflag:s28], $0xC8  }
0x25: {  	[sflag:s28] =	ssyncset.done $0x0  }
0x26: {  	s10 =	simm.s32 $0x0;
	[sflag:s28] =	ssyncadd.s32 $0xFFFFFF38  }
0x27: {  	[tilespmem:s29], [sflag:$0x2] =	stream.indirect.gather [hbm4b:s5+s24], $0x80, s22, s24, $0xb8;
	[tilespmem:$0x1F600] =	vst v63  }
0x28: {  	v2 =	vld [tilespmem:s10+$0x230]  }
0x29: {  	v4 =	vld [tilespmem:s10+$0x19230]  }
0x2a: {  	v5 =	vld [tilespmem:s10+$0x200]  }
0x2b: {  	v6 =	vld [tilespmem:s10+$0x19200]  }
0x2c: {  	v1 =	vld [tilespmem:s10+$0x210]  }
0x2d: {  	v3 =	vld [tilespmem:s10+$0x19210]  }
0x2e: {  	v0 =	vld [tilespmem:s10+$0x220];
	v7 =	vadd.f32 v4, v2  }
0x2f: {  	s11 =	simm.s32 $0x80;
	v4 =	vld [tilespmem:s10+$0x19220]  }
0x30: {  	s12 =	simm.s32 $0x400;
	v2 =	vld [tilespmem:s11+$0x230];
	v5 =	vadd.f32 v6, v5;
	[tilespmem:s10+$0xCA30] =	vst v7  }
.LBB2_2:
0x31: {  	p0 =	sne.s32 s12, $0x18E00;
	v6 =	vld [tilespmem:s11+$0x19230]  }
0x32: {  	v7 =	vld [tilespmem:s11+$0x200];
	[tilespmem:s10+$0xCA00] =	vst v5;
	v3 =	vadd.f32 v3, v1  }
0x33: {  	v5 =	vld [tilespmem:s11+$0x19200]  }
.Ltmp0:
0x34: {  	v1 =	vld [tilespmem:s11+$0x210];
	[tilespmem:s10+$0xCA10] =	vst v3;
	v4 =	vadd.f32 v4, v0;
	(pc) =	sbr.rel @p0 .LBB2_2-.Ltmp0, $4  }
0x35: {  	v3 =	vld [tilespmem:s11+$0x19210]  }
0x36: {  	v0 =	vld [tilespmem:s11+$0x220];
	v6 =	vadd.f32 v6, v2;
	[tilespmem:s10+$0xCA20] =	vst v4;
	s10 =	smov.u32 s11  }
0x37: {  	s11 =	sshra.s32 s12, $0x2;
	v4 =	vld [tilespmem:s10+$0x19220]  }
0x38: {  	s12 =	sadd.s32 $0x200, s12;
	v2 =	vld [tilespmem:s11+$0x230];
	v5 =	vadd.f32 v5, v7;
	[tilespmem:s10+$0xCA30] =	vst v6  }
0x39: {  	v6 =	vld [tilespmem:s11+$0x19230]  }
0x3a: {  	v7 =	vld [tilespmem:s11+$0x200];
	[tilespmem:s10+$0xCA00] =	vst v5;
	v1 =	vadd.f32 v3, v1  }
0x3b: {  	v3 =	vld [tilespmem:s11+$0x19200]  }
0x3c: {  	v5 =	vld [tilespmem:s11+$0x210];
	[tilespmem:s10+$0xCA10] =	vst v1;
	v0 =	vadd.f32 v4, v0  }
0x3d: {  	v1 =	vld [tilespmem:s11+$0x19210]  }
0x3e: {  	v4 =	vld [tilespmem:s11+$0x220];
	[tilespmem:s10+$0xCA20] =	vst v0  }
0x3f: {  	v0 =	vld [tilespmem:s11+$0x19220];
	_ =	sdelay $0x1  }
0x40: {  	v2 =	vadd.f32 v6, v2  }
0x41: {  	v3 =	vadd.f32 v3, v7  }
0x42: {  	[tilespmem:s11+$0xCA30] =	vst v2;
	v1 =	vadd.f32 v1, v5  }
0x43: {  	[tilespmem:s11+$0xCA00] =	vst v3;
	v0 =	vadd.f32 v0, v4  }
0x44: {  	[tilespmem:s11+$0xCA10] =	vst v1  }
0x45: {  	s12 =	simm.s32 $0x0;
	s13 =	rddreg [dreg:$0x5];
	[tilespmem:s11+$0xCA20] =	vst v0  }
0x46: {  	[hbm4b:s13+s12] =	stream.linear.scatter [tilespmem:s30], [sflag:$0x3], $0x6400, $0x38;
	[tilespmem:$0x1F600] =	vst v63  }
0x47: {  	_ =	swait.ge [sflag:s31], $0x6400  }
0x48: {  	[sflag:s31] =	ssyncset.done $0x0  }
0x49: {  	s14 =	rddreg [dreg:$0x6];
	[sflag:s31] =	ssyncadd.s32 $0xFFFF9C00  }
0x4a: {  	[tilespmem:s22], [sflag:$0x6] =	stream.linear.gather [hbm4b:s14+s12], $0xC8, $0x38;
	[tilespmem:$0x1F600] =	vst v63  }
0x4b: {  	_ =	swait.ge [sflag:s0], $0x6400  }
0x4c: {  	[sflag:s0] =	ssyncset.done $0x0  }
0x4d: {  	[sflag:s0] =	ssyncadd.s32 $0xFFFF9C00  }
0x4e: {  	_ =	swait.ge [sflag:s23], $0xC8  }
0x4f: {  	[sflag:s23] =	ssyncset.done $0x0  }
0x50: {  	s10 =	simm.s32 $0x0;
	[sflag:s23] =	ssyncadd.s32 $0xFFFFFF38  }
0x51: {  	[tilespmem:s25], [sflag:$0x1] =	stream.indirect.gather [hbm4b:s5+s24], $0x80, s12, s24, $0xb8;
	[tilespmem:$0x1F600] =	vst v63  }
0x52: {  	v2 =	vld [tilespmem:s10+$0x6630]  }
0x53: {  	v4 =	vld [tilespmem:s10+$0x19230]  }
0x54: {  	v5 =	vld [tilespmem:s10+$0x6600]  }
0x55: {  	v6 =	vld [tilespmem:s10+$0x19200]  }
0x56: {  	v1 =	vld [tilespmem:s10+$0x6610]  }
0x57: {  	v3 =	vld [tilespmem:s10+$0x19210]  }
0x58: {  	v0 =	vld [tilespmem:s10+$0x6620];
	v7 =	vadd.f32 v4, v2  }
0x59: {  	s11 =	simm.s32 $0x80;
	v4 =	vld [tilespmem:s10+$0x19220]  }
0x5a: {  	s12 =	simm.s32 $0x400;
	v2 =	vld [tilespmem:s11+$0x6630];
	v5 =	vadd.f32 v6, v5;
	[tilespmem:s10+$0x12E30] =	vst v7  }
.LBB2_4:
0x5b: {  	p0 =	sne.s32 s12, $0x18E00;
	v6 =	vld [tilespmem:s11+$0x19230]  }
0x5c: {  	v7 =	vld [tilespmem:s11+$0x6600];
	[tilespmem:s10+$0x12E00] =	vst v5;
	v3 =	vadd.f32 v3, v1  }
0x5d: {  	v5 =	vld [tilespmem:s11+$0x19200]  }
.Ltmp1:
0x5e: {  	v1 =	vld [tilespmem:s11+$0x6610];
	[tilespmem:s10+$0x12E10] =	vst v3;
	v4 =	vadd.f32 v4, v0;
	(pc) =	sbr.rel @p0 .LBB2_4-.Ltmp1, $4  }
0x5f: {  	v3 =	vld [tilespmem:s11+$0x19210]  }
0x60: {  	v0 =	vld [tilespmem:s11+$0x6620];
	v6 =	vadd.f32 v6, v2;
	[tilespmem:s10+$0x12E20] =	vst v4;
	s10 =	smov.u32 s11  }
0x61: {  	s11 =	sshra.s32 s12, $0x2;
	v4 =	vld [tilespmem:s10+$0x19220]  }
0x62: {  	s12 =	sadd.s32 $0x200, s12;
	v2 =	vld [tilespmem:s11+$0x6630];
	v5 =	vadd.f32 v5, v7;
	[tilespmem:s10+$0x12E30] =	vst v6  }
0x63: {  	v6 =	vld [tilespmem:s11+$0x19230]  }
0x64: {  	v7 =	vld [tilespmem:s11+$0x6600];
	[tilespmem:s10+$0x12E00] =	vst v5;
	v1 =	vadd.f32 v3, v1  }
0x65: {  	v62 =	vld [tilespmem:s11+$0x19200]  }
0x66: {  	v5 =	vld [tilespmem:s11+$0x6610];
	[tilespmem:s10+$0x12E10] =	vst v1;
	v0 =	vadd.f32 v4, v0  }
0x67: {  	v1 =	vld [tilespmem:s11+$0x19210]  }
0x68: {  	v63 =	vld [tilespmem:s11+$0x6620];
	[tilespmem:s10+$0x12E20] =	vst v0  }
0x69: {  	v0 =	vld [tilespmem:s11+$0x19220];
	_ =	sdelay $0x1  }
0x6a: {  	v2 =	vadd.f32 v6, v2  }
0x6b: {  	v3 =	vadd.f32 v62, v7  }
0x6c: {  	[tilespmem:s11+$0x12E30] =	vst v2;
	v1 =	vadd.f32 v1, v5  }
0x6d: {  	[tilespmem:s11+$0x12E00] =	vst v3;
	v0 =	vadd.f32 v0, v63  }
0x6e: {  	[tilespmem:s11+$0x12E10] =	vst v1  }
0x6f: {  	s14 =	rddreg [dreg:$0x7];
	s10 =	simm.s32 $0x1;
	[tilespmem:s11+$0x12E20] =	vst v0  }
0x70: {  	[hbm4b:s14+s2] =	stream.linear.scatter [tilespmem:s1], [sflag:$0x4], $0x6400, $0x38;
	[tilespmem:$0x1F600] =	vst v63  }
.LBB2_6:
0x71: {  	s11 =	smul.u32 $0x190, s10;
	_ =	sdelay $0x1  }
0x72: {  	_ =	swait.ge [sflag:s26], $0x6400;
	s12 =	sadd.s32 s11, s15  }
0x73: {  	[sflag:s26] =	ssyncset.done $0x0;
	s12 =	sshrl.u32 s12, $0x3  }
0x74: {  	s13 =	simm.s32 $0x0;
	[sflag:s26] =	ssyncadd.s32 $0xFFFF9C00;
	s12 =	sadd.s32 s3, s12  }
0x75: {  	[tilespmem:s13], [sflag:$0x5] =	stream.linear.gather [hbm4b:s12+s13], $0xC8, $0x38;
	[tilespmem:$0x1F600] =	vst v63  }
0x76: {  	_ =	swait.ge [sflag:s20], $0x6400  }
0x77: {  	[sflag:s20] =	ssyncset.done $0x0  }
0x78: {  	[sflag:s20] =	ssyncadd.s32 $0xFFFF9C00  }
0x79: {  	_ =	swait.ge [sflag:s28], $0xC8  }
0x7a: {  	[sflag:s28] =	ssyncset.done $0x0  }
0x7b: {  	s13 =	simm.s32 $0x0;
	[sflag:s28] =	ssyncadd.s32 $0xFFFFFF38  }
0x7c: {  	[tilespmem:s29], [sflag:$0x2] =	stream.indirect.gather [hbm4b:s5+s24], $0x80, s22, s24, $0xb8;
	[tilespmem:$0x1F600] =	vst v63  }
0x7d: {  	v2 =	vld [tilespmem:s13+$0x230]  }
0x7e: {  	v4 =	vld [tilespmem:s13+$0x19230]  }
0x7f: {  	v5 =	vld [tilespmem:s13+$0x200]  }
0x80: {  	v6 =	vld [tilespmem:s13+$0x19200]  }
0x81: {  	v1 =	vld [tilespmem:s13+$0x210]  }
0x82: {  	v3 =	vld [tilespmem:s13+$0x19210]  }
0x83: {  	v0 =	vld [tilespmem:s13+$0x220];
	v7 =	vadd.f32 v4, v2  }
0x84: {  	s12 =	simm.s32 $0x80;
	v4 =	vld [tilespmem:s13+$0x19220]  }
0x85: {  	s14 =	simm.s32 $0x400;
	v2 =	vld [tilespmem:s12+$0x230];
	v5 =	vadd.f32 v6, v5;
	[tilespmem:s13+$0xCA30] =	vst v7  }
.LBB2_7:
0x86: {  	p0 =	sne.s32 s14, $0x18E00;
	v6 =	vld [tilespmem:s12+$0x19230]  }
0x87: {  	v7 =	vld [tilespmem:s12+$0x200];
	[tilespmem:s13+$0xCA00] =	vst v5;
	v3 =	vadd.f32 v3, v1  }
0x88: {  	v5 =	vld [tilespmem:s12+$0x19200]  }
.Ltmp2:
0x89: {  	v1 =	vld [tilespmem:s12+$0x210];
	[tilespmem:s13+$0xCA10] =	vst v3;
	v4 =	vadd.f32 v4, v0;
	(pc) =	sbr.rel @p0 .LBB2_7-.Ltmp2, $4  }
0x8a: {  	v3 =	vld [tilespmem:s12+$0x19210]  }
0x8b: {  	v0 =	vld [tilespmem:s12+$0x220];
	v6 =	vadd.f32 v6, v2;
	[tilespmem:s13+$0xCA20] =	vst v4;
	s13 =	smov.u32 s12  }
0x8c: {  	s12 =	sshra.s32 s14, $0x2;
	v4 =	vld [tilespmem:s13+$0x19220]  }
0x8d: {  	s14 =	sadd.s32 $0x200, s14;
	v2 =	vld [tilespmem:s12+$0x230];
	v5 =	vadd.f32 v5, v7;
	[tilespmem:s13+$0xCA30] =	vst v6  }
0x8e: {  	v6 =	vld [tilespmem:s12+$0x19230]  }
0x8f: {  	v7 =	vld [tilespmem:s12+$0x200];
	[tilespmem:s13+$0xCA00] =	vst v5;
	v1 =	vadd.f32 v3, v1  }
0x90: {  	v3 =	vld [tilespmem:s12+$0x19200]  }
0x91: {  	v5 =	vld [tilespmem:s12+$0x210];
	[tilespmem:s13+$0xCA10] =	vst v1;
	v0 =	vadd.f32 v4, v0  }
0x92: {  	v1 =	vld [tilespmem:s12+$0x19210]  }
0x93: {  	v4 =	vld [tilespmem:s12+$0x220];
	[tilespmem:s13+$0xCA20] =	vst v0  }
0x94: {  	v0 =	vld [tilespmem:s12+$0x19220];
	_ =	sdelay $0x1  }
0x95: {  	v2 =	vadd.f32 v6, v2  }
0x96: {  	v3 =	vadd.f32 v3, v7  }
0x97: {  	[tilespmem:s12+$0xCA30] =	vst v2;
	v1 =	vadd.f32 v1, v5  }
0x98: {  	s14 =	sadd.s32 s4, s11;
	[tilespmem:s12+$0xCA00] =	vst v3;
	v0 =	vadd.f32 v0, v4  }
0x99: {  	s13 =	sshll.u32 s14, $0x4;
	[tilespmem:s12+$0xCA10] =	vst v1  }
0x9a: {  	s14 =	sadd.s32 s7, s13;
	s13 =	simm.s32 $0x0;
	[tilespmem:s12+$0xCA20] =	vst v0  }
0x9b: {  	[hbm4b:s14+s13] =	stream.linear.scatter [tilespmem:s30], [sflag:$0x3], $0x6400, $0x38;
	[tilespmem:$0x1F600] =	vst v63  }
0x9c: {  	s14 =	sadd.s32 s11, s16;
	_ =	swait.ge [sflag:s31], $0x6400  }
0x9d: {  	s12 =	sshrl.u32 s14, $0x3;
	[sflag:s31] =	ssyncset.done $0x0  }
0x9e: {  	s12 =	sadd.s32 s3, s12;
	[sflag:s31] =	ssyncadd.s32 $0xFFFF9C00  }
0x9f: {  	[tilespmem:s22], [sflag:$0x6] =	stream.linear.gather [hbm4b:s12+s13], $0xC8, $0x38;
	[tilespmem:$0x1F600] =	vst v63  }
0xa0: {  	_ =	swait.ge [sflag:s0], $0x6400  }
0xa1: {  	[sflag:s0] =	ssyncset.done $0x0  }
0xa2: {  	[sflag:s0] =	ssyncadd.s32 $0xFFFF9C00  }
0xa3: {  	_ =	swait.ge [sflag:s23], $0xC8  }
0xa4: {  	[sflag:s23] =	ssyncset.done $0x0  }
0xa5: {  	[sflag:s23] =	ssyncadd.s32 $0xFFFFFF38  }
0xa6: {  	[tilespmem:s25], [sflag:$0x1] =	stream.indirect.gather [hbm4b:s5+s24], $0x80, s13, s24, $0xb8;
	[tilespmem:$0x1F600] =	vst v63  }
0xa7: {  	s13 =	simm.s32 $0x0  }
0xa8: {  	v2 =	vld [tilespmem:s13+$0x6630]  }
0xa9: {  	v4 =	vld [tilespmem:s13+$0x19230]  }
0xaa: {  	v5 =	vld [tilespmem:s13+$0x6600]  }
0xab: {  	v6 =	vld [tilespmem:s13+$0x19200]  }
0xac: {  	v1 =	vld [tilespmem:s13+$0x6610]  }
0xad: {  	v3 =	vld [tilespmem:s13+$0x19210]  }
0xae: {  	v0 =	vld [tilespmem:s13+$0x6620];
	v7 =	vadd.f32 v4, v2  }
0xaf: {  	s12 =	simm.s32 $0x80;
	v4 =	vld [tilespmem:s13+$0x19220]  }
0xb0: {  	s14 =	simm.s32 $0x400;
	v2 =	vld [tilespmem:s12+$0x6630];
	v5 =	vadd.f32 v6, v5;
	[tilespmem:s13+$0x12E30] =	vst v7  }
.LBB2_9:
0xb1: {  	p0 =	sne.s32 s14, $0x18E00;
	v6 =	vld [tilespmem:s12+$0x19230]  }
0xb2: {  	v7 =	vld [tilespmem:s12+$0x6600];
	[tilespmem:s13+$0x12E00] =	vst v5;
	v3 =	vadd.f32 v3, v1  }
0xb3: {  	v5 =	vld [tilespmem:s12+$0x19200]  }
.Ltmp3:
0xb4: {  	v1 =	vld [tilespmem:s12+$0x6610];
	[tilespmem:s13+$0x12E10] =	vst v3;
	v4 =	vadd.f32 v4, v0;
	(pc) =	sbr.rel @p0 .LBB2_9-.Ltmp3, $4  }
0xb5: {  	v3 =	vld [tilespmem:s12+$0x19210]  }
0xb6: {  	v0 =	vld [tilespmem:s12+$0x6620];
	v6 =	vadd.f32 v6, v2;
	[tilespmem:s13+$0x12E20] =	vst v4;
	s13 =	smov.u32 s12  }
0xb7: {  	s12 =	sshra.s32 s14, $0x2;
	v4 =	vld [tilespmem:s13+$0x19220]  }
0xb8: {  	s14 =	sadd.s32 $0x200, s14;
	v2 =	vld [tilespmem:s12+$0x6630];
	v5 =	vadd.f32 v5, v7;
	[tilespmem:s13+$0x12E30] =	vst v6  }
0xb9: {  	v6 =	vld [tilespmem:s12+$0x19230]  }
0xba: {  	v7 =	vld [tilespmem:s12+$0x6600];
	[tilespmem:s13+$0x12E00] =	vst v5;
	v1 =	vadd.f32 v3, v1  }
0xbb: {  	v62 =	vld [tilespmem:s12+$0x19200]  }
0xbc: {  	v5 =	vld [tilespmem:s12+$0x6610];
	[tilespmem:s13+$0x12E10] =	vst v1;
	v0 =	vadd.f32 v4, v0  }
0xbd: {  	v1 =	vld [tilespmem:s12+$0x19210]  }
0xbe: {  	v63 =	vld [tilespmem:s12+$0x6620];
	[tilespmem:s13+$0x12E20] =	vst v0  }
0xbf: {  	v0 =	vld [tilespmem:s12+$0x19220];
	_ =	sdelay $0x1  }
0xc0: {  	s10 =	sadd.s32 $0x1, s10;
	v2 =	vadd.f32 v6, v2  }
0xc1: {  	p0 =	sne.s32 s10, $0x3F;
	v3 =	vadd.f32 v62, v7  }
.Ltmp4:
0xc2: {  	[tilespmem:s12+$0x12E30] =	vst v2;
	v1 =	vadd.f32 v1, v5;
	(pc) =	sbr.rel @p0 .LBB2_6-.Ltmp4, $4  }
0xc3: {  	s11 =	sadd.s32 s11, s8;
	[tilespmem:s12+$0x12E00] =	vst v3;
	v0 =	vadd.f32 v0, v63  }
0xc4: {  	s11 =	sshll.u32 s11, $0x4;
	[tilespmem:s12+$0x12E10] =	vst v1  }
0xc5: {  	s11 =	sadd.s32 s7, s11;
	[tilespmem:s12+$0x12E20] =	vst v0  }
0xc6: {  	[hbm4b:s11+s2] =	stream.linear.scatter [tilespmem:s1], [sflag:$0x4], $0x6400, $0x38;
	[tilespmem:$0x1F600] =	vst v63  }
0xc7: {  	_ =	swait.ge [sflag:s26], $0x6400  }
0xc8: {  	[sflag:s26] =	ssyncset.done $0x0  }
0xc9: {  	[sflag:s26] =	ssyncadd.s32 $0xFFFF9C00  }
0xca: {  	_ =	swait.ge [sflag:s20], $0x6400  }
0xcb: {  	[sflag:s20] =	ssyncset.done $0x0  }
0xcc: {  	[sflag:s20] =	ssyncadd.s32 $0xFFFF9C00  }
0xcd: {  	_ =	swait.ge [sflag:s28], $0xC8  }
0xce: {  	[sflag:s28] =	ssyncset.done $0x0  }
0xcf: {  	s10 =	simm.s32 $0x0;
	[sflag:s28] =	ssyncadd.s32 $0xFFFFFF38  }
0xd0: {  	[tilespmem:s29], [sflag:$0x2] =	stream.indirect.gather [hbm4b:s5+s24], $0x80, s22, s24, $0xb8;
	[tilespmem:$0x1F600] =	vst v63  }
0xd1: {  	v2 =	vld [tilespmem:s10+$0x230]  }
0xd2: {  	v4 =	vld [tilespmem:s10+$0x19230]  }
0xd3: {  	v5 =	vld [tilespmem:s10+$0x200]  }
0xd4: {  	v6 =	vld [tilespmem:s10+$0x19200]  }
0xd5: {  	v1 =	vld [tilespmem:s10+$0x210]  }
0xd6: {  	v3 =	vld [tilespmem:s10+$0x19210]  }
0xd7: {  	v0 =	vld [tilespmem:s10+$0x220];
	v7 =	vadd.f32 v4, v2  }
0xd8: {  	s11 =	simm.s32 $0x80;
	v4 =	vld [tilespmem:s10+$0x19220]  }
0xd9: {  	s12 =	simm.s32 $0x400;
	v2 =	vld [tilespmem:s11+$0x230];
	v5 =	vadd.f32 v6, v5;
	[tilespmem:s10+$0xCA30] =	vst v7  }
.LBB2_12:
0xda: {  	p0 =	sne.s32 s12, $0x18E00;
	v6 =	vld [tilespmem:s11+$0x19230]  }
0xdb: {  	v7 =	vld [tilespmem:s11+$0x200];
	[tilespmem:s10+$0xCA00] =	vst v5;
	v3 =	vadd.f32 v3, v1  }
0xdc: {  	v5 =	vld [tilespmem:s11+$0x19200]  }
.Ltmp5:
0xdd: {  	v1 =	vld [tilespmem:s11+$0x210];
	[tilespmem:s10+$0xCA10] =	vst v3;
	v4 =	vadd.f32 v4, v0;
	(pc) =	sbr.rel @p0 .LBB2_12-.Ltmp5, $4  }
0xde: {  	v3 =	vld [tilespmem:s11+$0x19210]  }
0xdf: {  	v0 =	vld [tilespmem:s11+$0x220];
	v6 =	vadd.f32 v6, v2;
	[tilespmem:s10+$0xCA20] =	vst v4;
	s10 =	smov.u32 s11  }
0xe0: {  	s11 =	sshra.s32 s12, $0x2;
	v4 =	vld [tilespmem:s10+$0x19220]  }
0xe1: {  	s12 =	sadd.s32 $0x200, s12;
	v2 =	vld [tilespmem:s11+$0x230];
	v5 =	vadd.f32 v5, v7;
	[tilespmem:s10+$0xCA30] =	vst v6  }
0xe2: {  	v6 =	vld [tilespmem:s11+$0x19230]  }
0xe3: {  	v7 =	vld [tilespmem:s11+$0x200];
	[tilespmem:s10+$0xCA00] =	vst v5;
	v1 =	vadd.f32 v3, v1  }
0xe4: {  	v3 =	vld [tilespmem:s11+$0x19200]  }
0xe5: {  	v5 =	vld [tilespmem:s11+$0x210];
	[tilespmem:s10+$0xCA10] =	vst v1;
	v0 =	vadd.f32 v4, v0  }
0xe6: {  	v1 =	vld [tilespmem:s11+$0x19210]  }
0xe7: {  	v4 =	vld [tilespmem:s11+$0x220];
	[tilespmem:s10+$0xCA20] =	vst v0  }
0xe8: {  	v0 =	vld [tilespmem:s11+$0x19220];
	_ =	sdelay $0x1  }
0xe9: {  	v2 =	vadd.f32 v6, v2  }
0xea: {  	v3 =	vadd.f32 v3, v7  }
0xeb: {  	[tilespmem:s11+$0xCA30] =	vst v2;
	v1 =	vadd.f32 v1, v5  }
0xec: {  	[tilespmem:s11+$0xCA00] =	vst v3;
	v0 =	vadd.f32 v0, v4  }
0xed: {  	[tilespmem:s11+$0xCA10] =	vst v1  }
0xee: {  	s14 =	simm.s32 $0x0;
	[tilespmem:s11+$0xCA20] =	vst v0  }
0xef: {  	[hbm4b:s17+s14] =	stream.linear.scatter [tilespmem:s30], [sflag:$0x3], $0x6400, $0x38;
	[tilespmem:$0x1F600] =	vst v63  }
0xf0: {  	_ =	swait.ge [sflag:s31], $0x6400  }
0xf1: {  	[sflag:s31] =	ssyncset.done $0x0  }
0xf2: {  	[sflag:s31] =	ssyncadd.s32 $0xFFFF9C00  }
0xf3: {  	_ =	swait.ge [sflag:s0], $0x6400  }
0xf4: {  	[sflag:s0] =	ssyncset.done $0x0  }
0xf5: {  	s10 =	simm.s32 $0x0;
	[sflag:s0] =	ssyncadd.s32 $0xFFFF9C00  }
0xf6: {  	v2 =	vld [tilespmem:s10+$0x6630]  }
0xf7: {  	v4 =	vld [tilespmem:s10+$0x19230]  }
0xf8: {  	v5 =	vld [tilespmem:s10+$0x6600]  }
0xf9: {  	v6 =	vld [tilespmem:s10+$0x19200]  }
0xfa: {  	v1 =	vld [tilespmem:s10+$0x6610]  }
0xfb: {  	v3 =	vld [tilespmem:s10+$0x19210]  }
0xfc: {  	v0 =	vld [tilespmem:s10+$0x6620];
	v7 =	vadd.f32 v4, v2  }
0xfd: {  	s11 =	simm.s32 $0x80;
	v4 =	vld [tilespmem:s10+$0x19220]  }
0xfe: {  	s12 =	simm.s32 $0x400;
	v2 =	vld [tilespmem:s11+$0x6630];
	v5 =	vadd.f32 v6, v5;
	[tilespmem:s10+$0x12E30] =	vst v7  }
.LBB2_14:
0xff: {  	p0 =	sne.s32 s12, $0x18E00;
	v6 =	vld [tilespmem:s11+$0x19230]  }
0x100: {  	v7 =	vld [tilespmem:s11+$0x6600];
	[tilespmem:s10+$0x12E00] =	vst v5;
	v3 =	vadd.f32 v3, v1  }
0x101: {  	v5 =	vld [tilespmem:s11+$0x19200]  }
.Ltmp6:
0x102: {  	v1 =	vld [tilespmem:s11+$0x6610];
	[tilespmem:s10+$0x12E10] =	vst v3;
	v4 =	vadd.f32 v4, v0;
	(pc) =	sbr.rel @p0 .LBB2_14-.Ltmp6, $4  }
0x103: {  	v3 =	vld [tilespmem:s11+$0x19210]  }
0x104: {  	v0 =	vld [tilespmem:s11+$0x6620];
	v6 =	vadd.f32 v6, v2;
	[tilespmem:s10+$0x12E20] =	vst v4;
	s10 =	smov.u32 s11  }
0x105: {  	s11 =	sshra.s32 s12, $0x2;
	v4 =	vld [tilespmem:s10+$0x19220]  }
0x106: {  	s12 =	sadd.s32 $0x200, s12;
	v2 =	vld [tilespmem:s11+$0x6630];
	v5 =	vadd.f32 v5, v7;
	[tilespmem:s10+$0x12E30] =	vst v6  }
0x107: {  	v6 =	vld [tilespmem:s11+$0x19230]  }
0x108: {  	v7 =	vld [tilespmem:s11+$0x6600];
	[tilespmem:s10+$0x12E00] =	vst v5;
	v1 =	vadd.f32 v3, v1  }
0x109: {  	v62 =	vld [tilespmem:s11+$0x19200]  }
0x10a: {  	v5 =	vld [tilespmem:s11+$0x6610];
	[tilespmem:s10+$0x12E10] =	vst v1;
	v0 =	vadd.f32 v4, v0  }
0x10b: {  	v1 =	vld [tilespmem:s11+$0x19210]  }
0x10c: {  	v63 =	vld [tilespmem:s11+$0x6620];
	[tilespmem:s10+$0x12E20] =	vst v0  }
0x10d: {  	v0 =	vld [tilespmem:s11+$0x19220];
	_ =	sdelay $0x1  }
0x10e: {  	v2 =	vadd.f32 v6, v2  }
0x10f: {  	v3 =	vadd.f32 v62, v7  }
0x110: {  	[tilespmem:s11+$0x12E30] =	vst v2;
	v1 =	vadd.f32 v1, v5  }
0x111: {  	s6 =	sadd.s32 $0x1, s6;
	[tilespmem:s11+$0x12E00] =	vst v3;
	v0 =	vadd.f32 v0, v63  }
0x112: {  	p0 =	sne.s32 s6, s19;
	[tilespmem:s11+$0x12E10] =	vst v1  }
.Ltmp7:
0x113: {  	[tilespmem:s11+$0x12E20] =	vst v0;
	(pc) =	sbr.rel @p0 .LBB2_1-.Ltmp7, $4  }
0x114: {  	[hbm4b:s18+s2] =	stream.linear.scatter [tilespmem:s1], [sflag:$0x4], $0x6400, $0x38;
	[tilespmem:$0x1F600] =	vst v63  }
0x115: {  	_ =	swait.ge [sflag:s20], $0x6400  }
0x116: {  	[sflag:s20] =	ssyncset.done $0x0  }
0x117: {  	[sflag:s20] =	ssyncadd.s32 $0xFFFF9C00  }
0x118: {  	_ =	sfence.sel $0x180000  }
0x119: {  	[bflag:$0x0] =	sbarrier.arrive $0xFFFF  }
0x11a: {  	_ =	strace $0x90000047  }
0x11b: {  	s0 =	stileid.u32;
	[bflag:$0x2] =	sbarrier.arrive $0xFFFF  }
0x11c: {  	p0 =	sne.s32 s0, $0x0;
	s0 =	rddreg [dreg:$0x1]  }
0x11d: {  	s0 =	sadd.s32 @!p0 $0x100000, s0  }
0x11e: {  	[sflag:s0] =	ssyncadd.tile.s32 @!p0 $0x1;
	_ =	shalt  }
.Lfunc_end2:
_tile_overlayer_lowered:
.L_overlay_start_2:
0x11f: {  	(tag) =	ssettag $0x2  }
0x120: {  	s0 =	rddreg [dreg:$0x0];
	s2 =	stileid.u32  }
0x121: {  	s1 =	rddreg [dreg:$0x1];
	p0 =	sne.s32 s2, $0x0  }
0x122: {  	s3 =	rddreg [dreg:$0x2];
	[bflag:$0x3] =	sbarrier.arrive $0xFFFF;
	s2 =	simm.s32 @!p0 $0x1C07  }
0x123: {  	[timem:s3], [sflag:s2] =	dma.local @!p0 [hbm:s0], s1  }
0x124: {  	s0 =	simm.s32 @!p0 $0x7  }
0x125: {  	_ =	swait.ge @!p0 [sflag:s0], s1  }
0x126: {  	s1 =	ssub.s32 @!p0 $0x0, s1;
	[sflag:s0] =	ssyncset.done @!p0 $0x0  }
0x127: {  	[sflag:s0] =	ssyncadd.s32 @!p0 s1  }
0x128: {  	[bflag:$0x3] =	sbarrier.arrive $0xFFFF  }
0x129: {  	_ =	shalt  }

// kernel: sparse-core-data-format-call.cloned.1.call-start
scs
called_computation_lowered:
.L_overlay_start_0:
0x0: {  	s2 =	sld [smem:$0x3FD9]  }
0x1: {  	s3 =	sld [smem:$0x3FFE];
	_ =	sdelay $0x1  }
0x2: {  	s1 =	srdreg.scid  }
0x3: {  	s0 =	sand.u32 $0x1, s1  }
0x4: {  	s18 =	sshll.u32 s0, $0xA;
	s2 =	sadd.s32 s3, s2  }
0x5: {  	s2 =	sadd.s32 s2, s18  }
0x6: {  	[smem:$0x3FC5] =	sst s2  }
0x7: {  	_ = 	snop  }
0x8: {  	s2 =	sld [smem:$0x3FD0];
	(tm) =	ssettm $0x1  }
0x9: {  	s19 =	sld [smem:$0x3FFB];
	_ =	sdelay $0x3  }
0xa: {  	_ =	strace s19  }
0xb: {  	s3 =	sld [smem:$0x3FFC];
	_ =	sdelay $0x3  }
0xc: {  	_ =	strace s3  }
0xd: {  	s3 =	sld [smem:$0x3FFD];
	_ =	sdelay $0x3  }
0xe: {  	_ =	strace s3  }
0xf: {  	_ =	strace $0x8FFFFFFF  }
0x10: {  	s20 =	sld [smem:$0x3FDB];
	_ =	sdelay $0x1  }
0x11: {  	s4 =	simm.s32 $_scs_section_size  }
0x12: {  	s5 =	simm.s32 $_size__tile_overlayer_lowered;
	s6 =	simm.s32 $_tile_overlayer_lowered  }
0x13: {  	s23 =	simm.s32 $0x1BFF;
	s22 =	sshll.u32 s6, $0x1;
	s3 =	sadd.s32 s4, s20  }
0x14: {  	s7 =	simm.s32 $0x0;
	s21 =	sshll.u32 s5, $0x1;
	s5 =	sadd.s32 s22, s3  }
0x15: {  	[timem:s7], [sflag:s23] =	dma.local [hbm:s5], s21  }
0x16: {  	_ =	swait.ge [sflag:s23], s21  }
0x17: {  	s4 =	ssub.s32 $0x0, s21;
	[sflag:s23] =	ssyncset.done $0x0  }
0x18: {  	[sflag:s23] =	ssyncadd.s32 s4;
	_ =	sdelay $0x1  }
0x19: {  	s24 =	simm.s32 $0x1B8B  }
0x1a: {  	_ =	swait.ge [sflag:s24], $0x1  }
0x1b: {  	[sflag:s24] =	ssyncset.done $0x0  }
0x1c: {  	s26 =	simm.s32 $0x1B8E;
	s25 =	sld [smem:$0x3FFE];
	[sflag:s24] =	ssyncadd.s32 $0xFFFFFFFF  }
0x1d: {  	s27 =	simm.s32 $execute0_lowered;
	[smem:$0x3FD2] =	sst s26  }
0x1e: {  	s5 =	sshll.u32 s27, $0x1;
	_ =	strace $0x80000049;
	[dreg:$0x1] =	wrdreg $0xFFFFFFFF  }
0x1f: {  	s28 =	simm.s32 $_size_execute0_lowered;
	s3 =	sadd.s32 s3, s5;
	[dreg:$0x0] =	wrdreg $0x0  }
0x20: {  	s5 =	sshll.u32 s28, $0x1;
	[dreg:$0x2] =	wrdreg s3  }
0x21: {  	[dreg:$0x3] =	wrdreg s5  }
0x22: {  	[dreg:$0x4] =	wrdreg $0xC0  }
0x23: {  	_ =	task [dreg:s7], $0x5FFFF  }
0x24: {  	[dreg:$0x1] =	wrdreg $0xFFFFFFFF  }
0x25: {  	[dreg:$0x0] =	wrdreg $0x60  }
0x26: {  	[dreg:$0x2] =	wrdreg s25  }
0x27: {  	[dreg:$0x3] =	wrdreg s2  }
0x28: {  	[dreg:$0x4] =	wrdreg $0x9  }
0x29: {  	_ =	task.clear_ibuf [dreg:s7], $0x5FFFF;
	_ =	strace $0x90000049  }
0x2a: {  	s29 =	simm.s32 $0x9;
	_ =	strace $0x8000004B  }
0x2b: {  	_ =	swait.ge [sflag:s29], $0x1  }
0x2c: {  	[sflag:s29] =	ssyncadd.s32 $0xFFFFFFFF  }
0x2d: {  	_ =	strace $0x9000004B  }
0x2e: {  	_ =	sfence  }
0x2f: {  	s30 =	sld [smem:$0x0];
	_ =	sdelay $0x2  }
0x30: {  	s31 =	sshll.u32 s1, $0xD;
	s1 =	sshrl.u32 s1, $0x2  }
0x31: {  	s3 =	sand.u32 $0x4000, s31;
	s1 =	sadd.s32 s1, s30  }
0x32: {  	s0 =	sor.u32 s3, s0;
	s1 =	sshll.u32 s1, $0x11  }
0x33: {  	s0 =	sor.u32 s1, s0  }
0x34: {  	s0 =	sadd.s32 $0x8F2B, s0  }
0x35: {  	[sflag:s0] =	ssyncadd.remote.s32 $0x1  }
0x36: {  	_ =	sfence.sel $0xFFFF  }
0x37: {  	[dreg:$0x0] =	wrdreg $0xFFFFFFFF;
	(pc) =	sbr.abs _section_cstart, $3  }
0x38: {  	[dreg:$0x1] =	wrdreg $0xFFFFFFFF  }
0x39: {  	_ =	task.clear_ibuf [dreg:s7], $0x2FFFF;
	_ =	strace $0x9FFFFFFF  }
0x3a: {  	(tm) =	ssettm $0x7FFFFFFF  }
0x3b: {  	_ =	shalt  }
tec
execute0_lowered:
.L_overlay_start_1:
0x0: {  	(tag) =	ssettag $0x1  }
0x1: {  	s0 =	srdreg.scid  }
0x2: {  	s1 =	sshll.u32 s0, $0x4  }
0x3: {  	s0 =	stileid.u32;
	s1 =	sand.u32 $0x10, s1  }
0x4: {  	s1 =	sor.u32 s0, s1  }
0x5: {  	s6 =	rddreg [dreg:$0x0];
	s4 =	simm.s32 $0x1;
	s2 =	sshll.u32 s1, $0x7  }
0x6: {  	s7 =	simm.s32 $0x2;
	s12 =	simm.s32 $0x0;
	s1 =	ssub.s32 $0x1000, s2  }
0x7: {  	s8 =	simm.s32 $0x8000;
	s13 =	simm.s32 $0x0;
	s3 =	sand.u32 $0xF80, s1  }
0x8: {  	s9 =	simm.s32 $0x0;
	s5 =	sshrl.u32 s1, $0xC;
	p0 =	sne.s32 s3, $0x0  }
.Ltmp0:
0x9: {  	s1 =	rddreg [dreg:$0x2];
	s4 =	simm.s32 @!p0 $0x0;
	(pc) =	sbr.rel .LBB1_1-.Ltmp0, $4  }
0xa: {  	s11 =	simm.s32 $0x0;
	s3 =	rddreg [dreg:$0x1];
	s5 =	sadd.s32 s4, s5  }
0xb: {  	_ =	strace $0x8000004A;
	s4 =	simm.s32 $0x1;
	s5 =	smul.u32 $0xC8, s5  }
0xc: {  	s6 =	sadd.s32 $0x1A1000, s6;
	s10 =	smov.u32 s2;
	[sflag:s4] =	ssyncpa.u1 $0x0  }
0xd: {  	p0 =	por $0x0, $0x0;
	[sflag:s7] =	ssyncpa.u1 $0x0;
	s7 =	sor.u32 $0x1, s5  }
.LBB1_4:
0xe: {  	s16 =	sshll.u32 s13, $0x3;
	s17 =	sand.u32 $0x78, s13  }
0xf: {  	s30 =	sand.u32 $0x7E00, s13;
	s12 =	sshll.u32 s12, $0xF;
	s16 =	sand.u32 $0xC00, s16  }
0x10: {  	[tilespmem:s15+$0x810 ss:$0x81] =	vst.msk $0xffff, v2;
	s31 =	sand.u32 $0x7, s13;
	s16 =	sor.u32 s17, s16;
	s17 =	sadd.s32 s3, s30  }
0x11: {  	[tilespmem:s15+$0x1020 ss:$0x81] =	vst.msk $0xffff, v0;
	s13 =	sshll.u32 s31, $0x12;
	s12 =	sadd.s32 s12, s17;
	s16 =	sshrl.u32 s16, $0x3  }
0x12: {  	[tilespmem:s15+$0x0 ss:$0x81] =	vst.msk $0xffff, v1;
	s13 =	sor.u32 $0x400, s13;
	s12 =	sadd.s32 s16, s12  }
0x13: {  	[hbm4b:s12+s13] =	stream.strided.scatter [tilespmem:s14], [sflag:$0x2], $0x2000, s8, s13, $0x20;
	[tilespmem:$0x8080] =	vst v63  }
.LBB1_5:
0x14: {  	s14 =	sadd.s32 $0x1, s9  }
0x15: {  	s12 =	sadd.s32 $0x1000, s10;
	s16 =	smov.u32 s10;
	p2 =	sgt.s32 s14, $0xC7  }
0x16: {  	s16 =	smov.u32 @p2 s12  }
0x17: {  	s14 =	simm.s32 @p2 $0x0;
	p2 =	sgt.s32 s16, $0xFFF  }
0x18: {  	s16 =	smov.u32 @p2 s2;
	p2 =	sne.s32 s11, s7  }
.Ltmp1:
0x19: {  	p1 =	slt.u32 s11, $0x2;
	(pc) =	sbr.rel @!p2 .LBB1_6-.Ltmp1, $4  }
0x1a: {  	s15 =	simm.s32 @!p1 $0x2  }
0x1b: {  	s13 =	smov.u32 s10;
	p0 =	por !p0, !p0;
	_ =	swait.ge @!p1 [sflag:s15], $0x2000  }
0x1c: {  	s12 =	smov.u32 s9;
	[sflag:s15] =	ssyncset.done @!p1 $0x0;
	s9 =	smov.u32 s14  }
0x1d: {  	s11 =	sadd.s32 $0x1, s11;
	[sflag:s15] =	ssyncadd.s32 @!p1 $0xFFFFE000;
	s10 =	smov.u32 s16  }
.LBB1_1:
0x1e: {  	p1 =	sge.u32 s11, s5  }
0x1f: {  	s14 =	sand.u32 @!p1 $0x1FFFFFF, s9  }
0x20: {  	s15 =	smulhi.u32 @!p1 $0x147AE15, s14;
	_ =	sdelay $0x1  }
0x21: {  	s15 =	smul.u32 @!p1 $0xC8, s15  }
0x22: {  	s16 =	sxor.u32 @!p1 $0xFFFFFFFF, s11;
	s17 =	smul.u32 @!p1 $0xC80, s10  }
0x23: {  	s31 =	sadd.s32 $0xFFFFFFFF, s11;
	s16 =	sshll.u32 @!p1 s16, $0xD;
	s14 =	ssub.s32 @!p1 s14, s15  }
0x24: {  	s15 =	sand.u32 @!p1 $0x2000, s16;
	s16 =	sadd.s32 @!p1 s6, s17;
	s14 =	sshll.u32 @!p1 s14, $0x4  }
0x25: {  	s17 =	simm.s32 @!p1 $0x6400;
	s14 =	sadd.s32 @!p1 s14, s16;
	s16 =	simm.s32 @!p1 $0x40  }
0x26: {  	[tilespmem:s15], [sflag:$0x1] =	stream.strided.gather @!p1 [hbm4b:s14+s16], $0x2000, s17, s16, $0x38;
	[tilespmem:$0x8080] =	vst v63  }
0x27: {  	p1 =	sge.u32 s31, s5  }
.Ltmp2:
0x28: {  	_ = 	snop;
	(pc) =	sbr.rel @p1 .LBB1_5-.Ltmp2, $1  }
0x29: {  	_ =	sdelay $0x3  }
0x2a: {  	s14 =	simm.s32 $0x1  }
0x2b: {  	_ =	swait.ge [sflag:s4], $0x2000;
	s14 =	simm.s32 @!p0 $0x0  }
0x2c: {  	[sflag:s4] =	ssyncset.done $0x0;
	s15 =	sshll.u32 s14, $0xD  }
0x2d: {  	[sflag:s4] =	ssyncadd.s32 $0xFFFFE000;
	s18 =	sor.u32 $0x20, s15  }
0x2e: {  	s14 =	smul.u32 $0x8100, s14;
	v3 =	vld [tilespmem:s18+$0x10]  }
0x2f: {  	s30 =	sand.u32 $0x1, s11;
	v2 =	vld [tilespmem:s18+$0xFFFFFFF0]  }
0x30: {  	s15 =	smul.u32 $0x8100, s30;
	s14 =	sshrl.u32 s14, $0x2;
	v0 =	vld [tilespmem:s18+$0x0]  }
0x31: {  	v1 =	vld [tilespmem:s18+$0xFFFFFFE0];
	s16 =	sor.u32 $0x4000, s14  }
0x32: {  	s31 =	sshrl.u32 s15, $0x2;
	s15 =	sadd.s32 $0x0, s16  }
0x33: {  	s17 =	simm.s32 $0x4;
	s18 =	sadd.s32 $0x40, s18;
	s14 =	sor.u32 $0x4000, s31;
	[tilespmem:s15+$0x1830 ss:$0x81] =	vst.msk $0xffff, v3  }
.LBB1_3:
0x34: {  	v3 =	vld [tilespmem:s18+$0x10];
	p1 =	sne.s32 s17, $0x1FC;
	[tilespmem:s15+$0x810 ss:$0x81] =	vst.msk $0xffff, v2;
	s19 =	smov.u32 s17;
	s17 =	sadd.s32 $0x4, s17  }
.Ltmp3:
0x35: {  	v2 =	vld [tilespmem:s18+$0xFFFFFFF0];
	[tilespmem:s15+$0x1020 ss:$0x81] =	vst.msk $0xffff, v0;
	(pc) =	sbr.rel @p1 .LBB1_3-.Ltmp3, $4  }
0x36: {  	v0 =	vld [tilespmem:s18+$0x0];
	[tilespmem:s15+$0x0 ss:$0x81] =	vst.msk $0xffff, v1  }
0x37: {  	s15 =	sshra.s32 s19, $0x2;
	v1 =	vld [tilespmem:s18+$0xFFFFFFE0]  }
0x38: {  	s15 =	sadd.s32 s15, s16  }
0x39: {  	s18 =	sadd.s32 $0x40, s18;
	[tilespmem:s15+$0x1830 ss:$0x81] =	vst.msk $0xffff, v3  }
.Ltmp4:
0x3a: {  	_ = 	snop;
	(pc) =	sbr.rel .LBB1_4-.Ltmp4, $1  }
0x3b: {  	_ =	sdelay $0x3  }
.LBB1_6:
0x3c: {  	_ =	sfence.sel $0x180000  }
0x3d: {  	s2 =	simm.s32 $0x1;
	[bflag:$0x0] =	sbarrier.arrive $0xFFFF  }
0x3e: {  	s31 =	simm.s32 $0x2;
	[sflag:s2] =	ssyncpa.u1 $0x1  }
0x3f: {  	[sflag:s31] =	ssyncpa.u1 $0x1  }
0x40: {  	p0 =	sne.s32 s0, $0x0;
	_ =	strace $0x9000004A  }
0x41: {  	s0 =	sadd.s32 @!p0 $0x100000, s1;
	[bflag:$0x2] =	sbarrier.arrive $0xFFFF  }
0x42: {  	[sflag:s0] =	ssyncadd.tile.s32 @!p0 $0x1;
	_ =	shalt  }
.Lfunc_end1:
_tile_overlayer_lowered:
.L_overlay_start_2:
0x43: {  	(tag) =	ssettag $0x2  }
0x44: {  	s0 =	rddreg [dreg:$0x0];
	s2 =	stileid.u32  }
0x45: {  	s1 =	rddreg [dreg:$0x1];
	p0 =	sne.s32 s2, $0x0  }
0x46: {  	s3 =	rddreg [dreg:$0x2];
	[bflag:$0x3] =	sbarrier.arrive $0xFFFF;
	s2 =	simm.s32 @!p0 $0x1C01  }
0x47: {  	[timem:s3], [sflag:s2] =	dma.local @!p0 [hbm:s0], s1  }
0x48: {  	s0 =	simm.s32 @!p0 $0x1  }
0x49: {  	_ =	swait.ge @!p0 [sflag:s0], s1  }
0x4a: {  	s1 =	ssub.s32 @!p0 $0x0, s1;
	[sflag:s0] =	ssyncset.done @!p0 $0x0  }
0x4b: {  	[sflag:s0] =	ssyncadd.s32 @!p0 s1  }
0x4c: {  	[bflag:$0x3] =	sbarrier.arrive $0xFFFF  }
0x4d: {  	_ =	shalt  }

</sc_bundles>
